<compile_context>
chip_gen: v7x
topology: tpu7x:2x2x1
jax: 0.10.2.dev20260603
libtpu: 0.0.44.dev20260713+nightly
codegen_flags: <defaults>
</compile_context>

<pallas_src>
import functools

import jax
import jax.numpy as jnp
from jax import lax
from jax.experimental import pallas as pl
from jax.experimental.pallas import tpu as pltpu
from jax.experimental.pallas import tpu_sc as plsc

B = 1024
V = 100000
L = 16
NC = 2
NS = 16
NW = NC * NS
CHUNK = B // NW


def _kl_body(xt_hbm, tgt_hbm, out_hbm, tgt_v, tiles_v, acc_v, all_v, shared,
             sem):
    cid = lax.axis_index("c")
    sid = lax.axis_index("s")
    wid = cid * NS + sid
    base = wid * CHUNK

    pltpu.sync_copy(tgt_hbm.at[pl.ds(base, CHUNK)], tgt_v)
    lane = lax.iota(jnp.int32, L)

    c0 = pl.multiple_of((base // 128) * 128, 128)

    handles = []
    for h in range(CHUNK // L):
        t = tgt_v[pl.ds(h * L, L)]
        for j in range(L):
            r = h * L + j
            tr = lax.squeeze(lax.slice(t, (j,), (j + 1,)), (0,))
            t0 = pl.multiple_of((tr >> 3) << 3, 8)
            handles.append(pltpu.async_copy(
                xt_hbm.at[pl.ds(t0, 8), pl.ds(c0, 128)],
                tiles_v.at[r], sem))
    for hd in handles:
        hd.wait()

    colbase = base - (base // 128) * 128
    acc = jnp.zeros((L,), jnp.float32)
    for h in range(CHUNK // L):
        t = tgt_v[pl.ds(h * L, L)]
        buf = h * L + lane
        sub = t & 7
        col = colbase + h * L + lane
        v = plsc.load_gather(tiles_v, [buf, sub, col])
        acc = acc + jnp.where(t != 0, -v, 0.0)
    acc_v[...] = acc

    pltpu.sync_copy(acc_v, shared.at[pl.ds(sid * L, L)])
    plsc.subcore_barrier()

    @pl.when(sid == 0)
    def _():
        pltpu.sync_copy(shared, all_v)
        s = all_v[pl.ds(0, L)]
        for j in range(1, NS):
            s = s + all_v[pl.ds(j * L, L)]
        acc_v[...] = s
        pltpu.sync_copy(acc_v, out_hbm.at[cid])


_kl = functools.partial(
    pl.kernel,
    out_type=jax.ShapeDtypeStruct((NC, L), jnp.float32),
    mesh=plsc.VectorSubcoreMesh(core_axis_name="c", subcore_axis_name="s"),
    compiler_params=pltpu.CompilerParams(needs_layout_passes=False),
    scratch_types=[
        pltpu.VMEM((CHUNK,), jnp.int32),
        pltpu.VMEM((CHUNK, 8, 128), jnp.float32),
        pltpu.VMEM((L,), jnp.float32),
        pltpu.VMEM((NS * L,), jnp.float32),
        pltpu.VMEM_SHARED((NS * L,), jnp.float32),
        pltpu.SemaphoreType.DMA,
    ],
)(_kl_body)


def kernel(x, target):
    partials = _kl(x.T, target)
    return jnp.sum(partials)

# --- scband reference (transcript-rebuilt; emitter-appended) ---
"""Pipeline reference for scband-kldiv-loss-52596169507010 (READ-ONLY COPY).

The authoritative reference and input builder live on the scoring server;
editing this copy changes nothing except your own understanding.
"""

import jax, jax.numpy as jnp
import numpy as np

PADDING_IDX = 0
B = 1024
V = 100000

def setup_inputs(seed: int = 0) -> dict:
    key = jax.random.key(seed)
    k1, k2 = jax.random.split(key)
    # x plays the role of log-probabilities fed to KLDivLoss
    x = jax.nn.log_softmax(jax.random.normal(k1, (B, V), dtype=jnp.float32), axis=-1)
    target = jax.random.randint(k2, (B,), 0, V, dtype=jnp.int32)
    return {"x": x, "target": target}

def reference(x, target):
    # target_onehot = zeros_like(x); scatter_(1, target.unsqueeze(1), 1.0)
    rows = jnp.arange(x.shape[0])
    target_onehot = jnp.zeros_like(x).at[rows, target].set(1.0)
    # if padding_idx >= 0: zero out the padding column
    if PADDING_IDX >= 0:
        target_onehot = target_onehot.at[:, PADDING_IDX].set(0.0)
    # index_fill_(0, rows where target == padding_idx, 0.0)
    pad_rows = (target == PADDING_IDX)
    target_onehot = jnp.where(pad_rows[:, None], 0.0, target_onehot)
    # nn.KLDivLoss(reduction='sum'): sum over t * (log t - x), with 0*log 0 := 0
    safe_t = jnp.where(target_onehot > 0, target_onehot, 1.0)
    loss = jnp.sum(jnp.where(target_onehot > 0, target_onehot * (jnp.log(safe_t) - x), 0.0))
    return loss

if __name__ == "__main__":
    import jax
    _d = setup_inputs()
    print(jax.jit(kernel)(*tuple(_d.values())))

</pallas_src>

<mosaic_0001>
#map = affine_map<(d0, d1) -> (0, 0)>
#map1 = affine_map<(d0, d1) -> (0)>
module attributes {stable_mosaic.version = 14 : i64} {
  func.func @_kl_body(%arg0: i32, %arg1: i32, %arg2: memref<100000x1024xf32, #tpu.memory_space<hbm>>, %arg3: memref<1024xi32, #tpu.memory_space<hbm>>, %arg4: memref<2x16xf32, #tpu.memory_space<hbm>>, %arg5: memref<32xi32, #tpu.memory_space<vmem>>, %arg6: memref<32x8x128xf32, #tpu.memory_space<vmem>>, %arg7: memref<16xf32, #tpu.memory_space<vmem>>, %arg8: memref<256xf32, #tpu.memory_space<vmem>>, %arg9: memref<256xf32, #tpu.memory_space<vmem_shared>>, %arg10: memref<!tpu.dma_semaphore, #tpu.memory_space<semaphore_mem>>) attributes {dimension_semantics = [#tpu.dimension_semantics<core_parallel>, #tpu.dimension_semantics<subcore_parallel>], iteration_bounds = array<i64: 2, 16>, scalar_prefetch = 0 : i64, scratch_operands = 6 : i64, tpu.core_type = #tpu.core_type<sc_vector_subcore>, window_params = [{transform_indices = #map}, {transform_indices = #map1}, {transform_indices = #map}]} {
    %mul3A = arith.constant 16 : i32
    %mul3A_0 = arith.muli %arg0, %mul3A : i32
    %add3A = arith.addi %mul3A_0, %arg1 : i32
    %mul3A_1 = arith.constant 32 : i32
    %mul3A_2 = arith.muli %add3A, %mul3A_1 : i32
    "tpu.region"() ({
      %run_scoped3A = tpu.sem_alloc : memref<!tpu.dma_semaphore, #tpu.memory_space<semaphore_mem>>
      %dma_start3A_1023 = tpu.memref_slice %arg3[%mul3A_2] : memref<1024xi32, #tpu.memory_space<hbm>> -> memref<32xi32, #tpu.memory_space<hbm>>
      %dma_start3A_1024 = tpu.memref_slice %arg3[%mul3A_2] : memref<1024xi32, #tpu.memory_space<hbm>> -> memref<32xi32, #tpu.memory_space<hbm>>
      tpu.enqueue_dma source(%dma_start3A_1024 : memref<32xi32, #tpu.memory_space<hbm>>) target(%arg5 : memref<32xi32, #tpu.memory_space<vmem>>) target_semaphore(%run_scoped3A : memref<!tpu.dma_semaphore, #tpu.memory_space<semaphore_mem>>)
      %dma_wait3A_1025 = tpu.memref_slice %arg3[%mul3A_2] : memref<1024xi32, #tpu.memory_space<hbm>> -> memref<32xi32, #tpu.memory_space<hbm>>
      %dma_wait3A_1026 = tpu.memref_slice %arg3[%mul3A_2] : memref<1024xi32, #tpu.memory_space<hbm>> -> memref<32xi32, #tpu.memory_space<hbm>>
      tpu.wait_dma2 semaphore(%run_scoped3A : memref<!tpu.dma_semaphore, #tpu.memory_space<semaphore_mem>>) src(%dma_wait3A_1026 : memref<32xi32, #tpu.memory_space<hbm>>) dst(%arg5 : memref<32xi32, #tpu.memory_space<vmem>>)
      tpu.yield
    }) : () -> ()
    %iota3A = tpu.iota {dimensions = array<i32: 0>} : vector<16xi32>
    %jit3A = arith.constant 128 : i32
    %div3A = arith.divsi %mul3A_2, %jit3A : i32
    %sign3A = arith.constant 0 : i32
    %sign3A_3 = arith.cmpi sgt, %mul3A_2, %sign3A : i32
    %sign3A_4 = arith.extui %sign3A_3 : i1 to i32
    %sign3A_5 = arith.constant 0 : i32
    %sign3A_6 = arith.cmpi slt, %mul3A_2, %sign3A_5 : i32
    %sign3A_7 = arith.extui %sign3A_6 : i1 to i32
    %sign3A_8 = arith.subi %sign3A_4, %sign3A_7 : i32
    %sign3A_9 = arith.constant 0 : i32
    %sign3A_10 = arith.cmpi sgt, %jit3A, %sign3A_9 : i32
    %sign3A_11 = arith.extui %sign3A_10 : i1 to i32
    %sign3A_12 = arith.constant 0 : i32
    %sign3A_13 = arith.cmpi slt, %jit3A, %sign3A_12 : i32
    %sign3A_14 = arith.extui %sign3A_13 : i1 to i32
    %sign3A_15 = arith.subi %sign3A_11, %sign3A_14 : i32
    %ne3A = arith.cmpi ne, %sign3A_8, %sign3A_15 : i32
    %rem3A = arith.remsi %mul3A_2, %jit3A : i32
    %ne3A_16 = arith.constant 0 : i32
    %ne3A_17 = arith.cmpi ne, %rem3A, %ne3A_16 : i32
    %and3A = arith.andi %ne3A, %ne3A_17 : i1
    %sub3A = arith.constant 1 : i32
    %sub3A_18 = arith.subi %div3A, %sub3A : i32
    %select_n3A = arith.select %and3A, %sub3A_18, %div3A : i32
    %mul3A_19 = arith.constant 128 : i32
    %mul3A_20 = arith.muli %select_n3A, %mul3A_19 : i32
    %multiple_of3A = tpu.assume_multiple %mul3A_20, 128 : i32
    %get3A = arith.constant 0 : index
    %get3A_21 = tpu.vector_load %arg5[%get3A] {strides = array<i32>} : memref<32xi32, #tpu.memory_space<vmem>>, vector<16xi32>,
    %slice3A = vector.extract_strided_slice %get3A_21 {offsets = [0], sizes = [1], strides = [1]} : vector<16xi32> to vector<1xi32>
    %squeeze3A = vector.extract %slice3A[0] : i32 from vector<1xi32>
    %shift_right_arithmetic3A = arith.constant 3 : i32
    %shift_right_arithmetic3A_22 = arith.shrsi %squeeze3A, %shift_right_arithmetic3A : i32
    %shift_left3A = arith.constant 3 : i32
    %shift_left3A_23 = arith.shli %shift_right_arithmetic3A_22, %shift_left3A : i32
    %multiple_of3A_24 = tpu.assume_multiple %shift_left3A_23, 8 : i32
    %dma_start3A = arith.constant 0 : i32
    %dma_start3A_25 = arith.constant 0 : i32
    %dma_start3A_26 = arith.constant 0 : i32
    %dma_start3A_27 = tpu.memref_slice %arg6[%dma_start3A, %dma_start3A_25, %dma_start3A_26] : memref<32x8x128xf32, #tpu.memory_space<vmem>> -> memref<1x8x128xf32, #tpu.memory_space<vmem>>
    %dma_start3A_28 = tpu.memref_squeeze %dma_start3A_27 : memref<1x8x128xf32, #tpu.memory_space<vmem>> -> memref<8x128xf32, #tpu.memory_space<vmem>>
    %dma_start3A_29 = tpu.memref_slice %arg2[%multiple_of3A_24, %multiple_of3A] : memref<100000x1024xf32, #tpu.memory_space<hbm>> -> memref<8x128xf32, #tpu.memory_space<hbm>>
    %dma_start3A_30 = arith.constant 0 : i32
    %dma_start3A_31 = arith.constant 0 : i32
    %dma_start3A_32 = tpu.memref_slice %arg6[%dma_start3A, %dma_start3A_30, %dma_start3A_31] : memref<32x8x128xf32, #tpu.memory_space<vmem>> -> memref<1x8x128xf32, #tpu.memory_space<vmem>>
    %dma_start3A_33 = tpu.memref_squeeze %dma_start3A_32 : memref<1x8x128xf32, #tpu.memory_space<vmem>> -> memref<8x128xf32, #tpu.memory_space<vmem>>
    %dma_start3A_34 = tpu.memref_slice %arg2[%multiple_of3A_24, %multiple_of3A] : memref<100000x1024xf32, #tpu.memory_space<hbm>> -> memref<8x128xf32, #tpu.memory_space<hbm>>
    tpu.enqueue_dma source(%dma_start3A_34 : memref<8x128xf32, #tpu.memory_space<hbm>>) target(%dma_start3A_33 : memref<8x128xf32, #tpu.memory_space<vmem>>) target_semaphore(%arg10 : memref<!tpu.dma_semaphore, #tpu.memory_space<semaphore_mem>>)
    %slice3A_35 = vector.extract_strided_slice %get3A_21 {offsets = [1], sizes = [1], strides = [1]} : vector<16xi32> to vector<1xi32>
    %squeeze3A_36 = vector.extract %slice3A_35[0] : i32 from vector<1xi32>
    %shift_right_arithmetic3A_37 = arith.constant 3 : i32
    %shift_right_arithmetic3A_38 = arith.shrsi %squeeze3A_36, %shift_right_arithmetic3A_37 : i32
    %shift_left3A_39 = arith.constant 3 : i32
    %shift_left3A_40 = arith.shli %shift_right_arithmetic3A_38, %shift_left3A_39 : i32
    %multiple_of3A_41 = tpu.assume_multiple %shift_left3A_40, 8 : i32
    %dma_start3A_42 = arith.constant 1 : i32
    %dma_start3A_43 = arith.constant 0 : i32
    %dma_start3A_44 = arith.constant 0 : i32
    %dma_start3A_45 = tpu.memref_slice %arg6[%dma_start3A_42, %dma_start3A_43, %dma_start3A_44] : memref<32x8x128xf32, #tpu.memory_space<vmem>> -> memref<1x8x128xf32, #tpu.memory_space<vmem>>
    %dma_start3A_46 = tpu.memref_squeeze %dma_start3A_45 : memref<1x8x128xf32, #tpu.memory_space<vmem>> -> memref<8x128xf32, #tpu.memory_space<vmem>>
    %dma_start3A_47 = tpu.memref_slice %arg2[%multiple_of3A_41, %multiple_of3A] : memref<100000x1024xf32, #tpu.memory_space<hbm>> -> memref<8x128xf32, #tpu.memory_space<hbm>>
    %dma_start3A_48 = arith.constant 0 : i32
    %dma_start3A_49 = arith.constant 0 : i32
    %dma_start3A_50 = tpu.memref_slice %arg6[%dma_start3A_42, %dma_start3A_48, %dma_start3A_49] : memref<32x8x128xf32, #tpu.memory_space<vmem>> -> memref<1x8x128xf32, #tpu.memory_space<vmem>>
    %dma_start3A_51 = tpu.memref_squeeze %dma_start3A_50 : memref<1x8x128xf32, #tpu.memory_space<vmem>> -> memref<8x128xf32, #tpu.memory_space<vmem>>
    %dma_start3A_52 = tpu.memref_slice %arg2[%multiple_of3A_41, %multiple_of3A] : memref<100000x1024xf32, #tpu.memory_space<hbm>> -> memref<8x128xf32, #tpu.memory_space<hbm>>
    tpu.enqueue_dma source(%dma_start3A_52 : memref<8x128xf32, #tpu.memory_space<hbm>>) target(%dma_start3A_51 : memref<8x128xf32, #tpu.memory_space<vmem>>) target_semaphore(%arg10 : memref<!tpu.dma_semaphore, #tpu.memory_space<semaphore_mem>>)
    %slice3A_53 = vector.extract_strided_slice %get3A_21 {offsets = [2], sizes = [1], strides = [1]} : vector<16xi32> to vector<1xi32>
    %squeeze3A_54 = vector.extract %slice3A_53[0] : i32 from vector<1xi32>
    %shift_right_arithmetic3A_55 = arith.constant 3 : i32
    %shift_right_arithmetic3A_56 = arith.shrsi %squeeze3A_54, %shift_right_arithmetic3A_55 : i32
    %shift_left3A_57 = arith.constant 3 : i32
    %shift_left3A_58 = arith.shli %shift_right_arithmetic3A_56, %shift_left3A_57 : i32
    %multiple_of3A_59 = tpu.assume_multiple %shift_left3A_58, 8 : i32
    %dma_start3A_60 = arith.constant 2 : i32
    %dma_start3A_61 = arith.constant 0 : i32
    %dma_start3A_62 = arith.constant 0 : i32
    %dma_start3A_63 = tpu.memref_slice %arg6[%dma_start3A_60, %dma_start3A_61, %dma_start3A_62] : memref<32x8x128xf32, #tpu.memory_space<vmem>> -> memref<1x8x128xf32, #tpu.memory_space<vmem>>
    %dma_start3A_64 = tpu.memref_squeeze %dma_start3A_63 : memref<1x8x128xf32, #tpu.memory_space<vmem>> -> memref<8x128xf32, #tpu.memory_space<vmem>>
    %dma_start3A_65 = tpu.memref_slice %arg2[%multiple_of3A_59, %multiple_of3A] : memref<100000x1024xf32, #tpu.memory_space<hbm>> -> memref<8x128xf32, #tpu.memory_space<hbm>>
    %dma_start3A_66 = arith.constant 0 : i32
    %dma_start3A_67 = arith.constant 0 : i32
    %dma_start3A_68 = tpu.memref_slice %arg6[%dma_start3A_60, %dma_start3A_66, %dma_start3A_67] : memref<32x8x128xf32, #tpu.memory_space<vmem>> -> memref<1x8x128xf32, #tpu.memory_space<vmem>>
    %dma_start3A_69 = tpu.memref_squeeze %dma_start3A_68 : memref<1x8x128xf32, #tpu.memory_space<vmem>> -> memref<8x128xf32, #tpu.memory_space<vmem>>
    %dma_start3A_70 = tpu.memref_slice %arg2[%multiple_of3A_59, %multiple_of3A] : memref<100000x1024xf32, #tpu.memory_space<hbm>> -> memref<8x128xf32, #tpu.memory_space<hbm>>
    tpu.enqueue_dma source(%dma_start3A_70 : memref<8x128xf32, #tpu.memory_space<hbm>>) target(%dma_start3A_69 : memref<8x128xf32, #tpu.memory_space<vmem>>) target_semaphore(%arg10 : memref<!tpu.dma_semaphore, #tpu.memory_space<semaphore_mem>>)
    %slice3A_71 = vector.extract_strided_slice %get3A_21 {offsets = [3], sizes = [1], strides = [1]} : vector<16xi32> to vector<1xi32>
    %squeeze3A_72 = vector.extract %slice3A_71[0] : i32 from vector<1xi32>
    %shift_right_arithmetic3A_73 = arith.constant 3 : i32
    %shift_right_arithmetic3A_74 = arith.shrsi %squeeze3A_72, %shift_right_arithmetic3A_73 : i32
    %shift_left3A_75 = arith.constant 3 : i32
    %shift_left3A_76 = arith.shli %shift_right_arithmetic3A_74, %shift_left3A_75 : i32
    %multiple_of3A_77 = tpu.assume_multiple %shift_left3A_76, 8 : i32
    %dma_start3A_78 = arith.constant 3 : i32
    %dma_start3A_79 = arith.constant 0 : i32
    %dma_start3A_80 = arith.constant 0 : i32
    %dma_start3A_81 = tpu.memref_slice %arg6[%dma_start3A_78, %dma_start3A_79, %dma_start3A_80] : memref<32x8x128xf32, #tpu.memory_space<vmem>> -> memref<1x8x128xf32, #tpu.memory_space<vmem>>
    %dma_start3A_82 = tpu.memref_squeeze %dma_start3A_81 : memref<1x8x128xf32, #tpu.memory_space<vmem>> -> memref<8x128xf32, #tpu.memory_space<vmem>>
    %dma_start3A_83 = tpu.memref_slice %arg2[%multiple_of3A_77, %multiple_of3A] : memref<100000x1024xf32, #tpu.memory_space<hbm>> -> memref<8x128xf32, #tpu.memory_space<hbm>>
    %dma_start3A_84 = arith.constant 0 : i32
    %dma_start3A_85 = arith.constant 0 : i32
    %dma_start3A_86 = tpu.memref_slice %arg6[%dma_start3A_78, %dma_start3A_84, %dma_start3A_85] : memref<32x8x128xf32, #tpu.memory_space<vmem>> -> memref<1x8x128xf32, #tpu.memory_space<vmem>>
    %dma_start3A_87 = tpu.memref_squeeze %dma_start3A_86 : memref<1x8x128xf32, #tpu.memory_space<vmem>> -> memref<8x128xf32, #tpu.memory_space<vmem>>
    %dma_start3A_88 = tpu.memref_slice %arg2[%multiple_of3A_77, %multiple_of3A] : memref<100000x1024xf32, #tpu.memory_space<hbm>> -> memref<8x128xf32, #tpu.memory_space<hbm>>
    tpu.enqueue_dma source(%dma_start3A_88 : memref<8x128xf32, #tpu.memory_space<hbm>>) target(%dma_start3A_87 : memref<8x128xf32, #tpu.memory_space<vmem>>) target_semaphore(%arg10 : memref<!tpu.dma_semaphore, #tpu.memory_space<semaphore_mem>>)
    %slice3A_89 = vector.extract_strided_slice %get3A_21 {offsets = [4], sizes = [1], strides = [1]} : vector<16xi32> to vector<1xi32>
    %squeeze3A_90 = vector.extract %slice3A_89[0] : i32 from vector<1xi32>
    %shift_right_arithmetic3A_91 = arith.constant 3 : i32
    %shift_right_arithmetic3A_92 = arith.shrsi %squeeze3A_90, %shift_right_arithmetic3A_91 : i32
    %shift_left3A_93 = arith.constant 3 : i32
    %shift_left3A_94 = arith.shli %shift_right_arithmetic3A_92, %shift_left3A_93 : i32
    %multiple_of3A_95 = tpu.assume_multiple %shift_left3A_94, 8 : i32
    %dma_start3A_96 = arith.constant 4 : i32
    %dma_start3A_97 = arith.constant 0 : i32
    %dma_start3A_98 = arith.constant 0 : i32
    %dma_start3A_99 = tpu.memref_slice %arg6[%dma_start3A_96, %dma_start3A_97, %dma_start3A_98] : memref<32x8x128xf32, #tpu.memory_space<vmem>> -> memref<1x8x128xf32, #tpu.memory_space<vmem>>
    %dma_start3A_100 = tpu.memref_squeeze %dma_start3A_99 : memref<1x8x128xf32, #tpu.memory_space<vmem>> -> memref<8x128xf32, #tpu.memory_space<vmem>>
    %dma_start3A_101 = tpu.memref_slice %arg2[%multiple_of3A_95, %multiple_of3A] : memref<100000x1024xf32, #tpu.memory_space<hbm>> -> memref<8x128xf32, #tpu.memory_space<hbm>>
    %dma_start3A_102 = arith.constant 0 : i32
    %dma_start3A_103 = arith.constant 0 : i32
    %dma_start3A_104 = tpu.memref_slice %arg6[%dma_start3A_96, %dma_start3A_102, %dma_start3A_103] : memref<32x8x128xf32, #tpu.memory_space<vmem>> -> memref<1x8x128xf32, #tpu.memory_space<vmem>>
    %dma_start3A_105 = tpu.memref_squeeze %dma_start3A_104 : memref<1x8x128xf32, #tpu.memory_space<vmem>> -> memref<8x128xf32, #tpu.memory_space<vmem>>
    %dma_start3A_106 = tpu.memref_slice %arg2[%multiple_of3A_95, %multiple_of3A] : memref<100000x1024xf32, #tpu.memory_space<hbm>> -> memref<8x128xf32, #tpu.memory_space<hbm>>
    tpu.enqueue_dma source(%dma_start3A_106 : memref<8x128xf32, #tpu.memory_space<hbm>>) target(%dma_start3A_105 : memref<8x128xf32, #tpu.memory_space<vmem>>) target_semaphore(%arg10 : memref<!tpu.dma_semaphore, #tpu.memory_space<semaphore_mem>>)
    %slice3A_107 = vector.extract_strided_slice %get3A_21 {offsets = [5], sizes = [1], strides = [1]} : vector<16xi32> to vector<1xi32>
    %squeeze3A_108 = vector.extract %slice3A_107[0] : i32 from vector<1xi32>
    %shift_right_arithmetic3A_109 = arith.constant 3 : i32
    %shift_right_arithmetic3A_110 = arith.shrsi %squeeze3A_108, %shift_right_arithmetic3A_109 : i32
    %shift_left3A_111 = arith.constant 3 : i32
    %shift_left3A_112 = arith.shli %shift_right_arithmetic3A_110, %shift_left3A_111 : i32
    %multiple_of3A_113 = tpu.assume_multiple %shift_left3A_112, 8 : i32
    %dma_start3A_114 = arith.constant 5 : i32
    %dma_start3A_115 = arith.constant 0 : i32
    %dma_start3A_116 = arith.constant 0 : i32
    %dma_start3A_117 = tpu.memref_slice %arg6[%dma_start3A_114, %dma_start3A_115, %dma_start3A_116] : memref<32x8x128xf32, #tpu.memory_space<vmem>> -> memref<1x8x128xf32, #tpu.memory_space<vmem>>
    %dma_start3A_118 = tpu.memref_squeeze %dma_start3A_117 : memref<1x8x128xf32, #tpu.memory_space<vmem>> -> memref<8x128xf32, #tpu.memory_space<vmem>>
    %dma_start3A_119 = tpu.memref_slice %arg2[%multiple_of3A_113, %multiple_of3A] : memref<100000x1024xf32, #tpu.memory_space<hbm>> -> memref<8x128xf32, #tpu.memory_space<hbm>>
    %dma_start3A_120 = arith.constant 0 : i32
    %dma_start3A_121 = arith.constant 0 : i32
    %dma_start3A_122 = tpu.memref_slice %arg6[%dma_start3A_114, %dma_start3A_120, %dma_start3A_121] : memref<32x8x128xf32, #tpu.memory_space<vmem>> -> memref<1x8x128xf32, #tpu.memory_space<vmem>>
    %dma_start3A_123 = tpu.memref_squeeze %dma_start3A_122 : memref<1x8x128xf32, #tpu.memory_space<vmem>> -> memref<8x128xf32, #tpu.memory_space<vmem>>
    %dma_start3A_124 = tpu.memref_slice %arg2[%multiple_of3A_113, %multiple_of3A] : memref<100000x1024xf32, #tpu.memory_space<hbm>> -> memref<8x128xf32, #tpu.memory_space<hbm>>
    tpu.enqueue_dma source(%dma_start3A_124 : memref<8x128xf32, #tpu.memory_space<hbm>>) target(%dma_start3A_123 : memref<8x128xf32, #tpu.memory_space<vmem>>) target_semaphore(%arg10 : memref<!tpu.dma_semaphore, #tpu.memory_space<semaphore_mem>>)
    %slice3A_125 = vector.extract_strided_slice %get3A_21 {offsets = [6], sizes = [1], strides = [1]} : vector<16xi32> to vector<1xi32>
    %squeeze3A_126 = vector.extract %slice3A_125[0] : i32 from vector<1xi32>
    %shift_right_arithmetic3A_127 = arith.constant 3 : i32
    %shift_right_arithmetic3A_128 = arith.shrsi %squeeze3A_126, %shift_right_arithmetic3A_127 : i32
    %shift_left3A_129 = arith.constant 3 : i32
    %shift_left3A_130 = arith.shli %shift_right_arithmetic3A_128, %shift_left3A_129 : i32
    %multiple_of3A_131 = tpu.assume_multiple %shift_left3A_130, 8 : i32
    %dma_start3A_132 = arith.constant 6 : i32
    %dma_start3A_133 = arith.constant 0 : i32
    %dma_start3A_134 = arith.constant 0 : i32
    %dma_start3A_135 = tpu.memref_slice %arg6[%dma_start3A_132, %dma_start3A_133, %dma_start3A_134] : memref<32x8x128xf32, #tpu.memory_space<vmem>> -> memref<1x8x128xf32, #tpu.memory_space<vmem>>
    %dma_start3A_136 = tpu.memref_squeeze %dma_start3A_135 : memref<1x8x128xf32, #tpu.memory_space<vmem>> -> memref<8x128xf32, #tpu.memory_space<vmem>>
    %dma_start3A_137 = tpu.memref_slice %arg2[%multiple_of3A_131, %multiple_of3A] : memref<100000x1024xf32, #tpu.memory_space<hbm>> -> memref<8x128xf32, #tpu.memory_space<hbm>>
    %dma_start3A_138 = arith.constant 0 : i32
    %dma_start3A_139 = arith.constant 0 : i32
    %dma_start3A_140 = tpu.memref_slice %arg6[%dma_start3A_132, %dma_start3A_138, %dma_start3A_139] : memref<32x8x128xf32, #tpu.memory_space<vmem>> -> memref<1x8x128xf32, #tpu.memory_space<vmem>>
    %dma_start3A_141 = tpu.memref_squeeze %dma_start3A_140 : memref<1x8x128xf32, #tpu.memory_space<vmem>> -> memref<8x128xf32, #tpu.memory_space<vmem>>
    %dma_start3A_142 = tpu.memref_slice %arg2[%multiple_of3A_131, %multiple_of3A] : memref<100000x1024xf32, #tpu.memory_space<hbm>> -> memref<8x128xf32, #tpu.memory_space<hbm>>
    tpu.enqueue_dma source(%dma_start3A_142 : memref<8x128xf32, #tpu.memory_space<hbm>>) target(%dma_start3A_141 : memref<8x128xf32, #tpu.memory_space<vmem>>) target_semaphore(%arg10 : memref<!tpu.dma_semaphore, #tpu.memory_space<semaphore_mem>>)
    %slice3A_143 = vector.extract_strided_slice %get3A_21 {offsets = [7], sizes = [1], strides = [1]} : vector<16xi32> to vector<1xi32>
    %squeeze3A_144 = vector.extract %slice3A_143[0] : i32 from vector<1xi32>
    %shift_right_arithmetic3A_145 = arith.constant 3 : i32
    %shift_right_arithmetic3A_146 = arith.shrsi %squeeze3A_144, %shift_right_arithmetic3A_145 : i32
    %shift_left3A_147 = arith.constant 3 : i32
    %shift_left3A_148 = arith.shli %shift_right_arithmetic3A_146, %shift_left3A_147 : i32
    %multiple_of3A_149 = tpu.assume_multiple %shift_left3A_148, 8 : i32
    %dma_start3A_150 = arith.constant 7 : i32
    %dma_start3A_151 = arith.constant 0 : i32
    %dma_start3A_152 = arith.constant 0 : i32
    %dma_start3A_153 = tpu.memref_slice %arg6[%dma_start3A_150, %dma_start3A_151, %dma_start3A_152] : memref<32x8x128xf32, #tpu.memory_space<vmem>> -> memref<1x8x128xf32, #tpu.memory_space<vmem>>
    %dma_start3A_154 = tpu.memref_squeeze %dma_start3A_153 : memref<1x8x128xf32, #tpu.memory_space<vmem>> -> memref<8x128xf32, #tpu.memory_space<vmem>>
    %dma_start3A_155 = tpu.memref_slice %arg2[%multiple_of3A_149, %multiple_of3A] : memref<100000x1024xf32, #tpu.memory_space<hbm>> -> memref<8x128xf32, #tpu.memory_space<hbm>>
    %dma_start3A_156 = arith.constant 0 : i32
    %dma_start3A_157 = arith.constant 0 : i32
    %dma_start3A_158 = tpu.memref_slice %arg6[%dma_start3A_150, %dma_start3A_156, %dma_start3A_157] : memref<32x8x128xf32, #tpu.memory_space<vmem>> -> memref<1x8x128xf32, #tpu.memory_space<vmem>>
    %dma_start3A_159 = tpu.memref_squeeze %dma_start3A_158 : memref<1x8x128xf32, #tpu.memory_space<vmem>> -> memref<8x128xf32, #tpu.memory_space<vmem>>
    %dma_start3A_160 = tpu.memref_slice %arg2[%multiple_of3A_149, %multiple_of3A] : memref<100000x1024xf32, #tpu.memory_space<hbm>> -> memref<8x128xf32, #tpu.memory_space<hbm>>
    tpu.enqueue_dma source(%dma_start3A_160 : memref<8x128xf32, #tpu.memory_space<hbm>>) target(%dma_start3A_159 : memref<8x128xf32, #tpu.memory_space<vmem>>) target_semaphore(%arg10 : memref<!tpu.dma_semaphore, #tpu.memory_space<semaphore_mem>>)
    %slice3A_161 = vector.extract_strided_slice %get3A_21 {offsets = [8], sizes = [1], strides = [1]} : vector<16xi32> to vector<1xi32>
    %squeeze3A_162 = vector.extract %slice3A_161[0] : i32 from vector<1xi32>
    %shift_right_arithmetic3A_163 = arith.constant 3 : i32
    %shift_right_arithmetic3A_164 = arith.shrsi %squeeze3A_162, %shift_right_arithmetic3A_163 : i32
    %shift_left3A_165 = arith.constant 3 : i32
    %shift_left3A_166 = arith.shli %shift_right_arithmetic3A_164, %shift_left3A_165 : i32
    %multiple_of3A_167 = tpu.assume_multiple %shift_left3A_166, 8 : i32
    %dma_start3A_168 = arith.constant 8 : i32
    %dma_start3A_169 = arith.constant 0 : i32
    %dma_start3A_170 = arith.constant 0 : i32
    %dma_start3A_171 = tpu.memref_slice %arg6[%dma_start3A_168, %dma_start3A_169, %dma_start3A_170] : memref<32x8x128xf32, #tpu.memory_space<vmem>> -> memref<1x8x128xf32, #tpu.memory_space<vmem>>
    %dma_start3A_172 = tpu.memref_squeeze %dma_start3A_171 : memref<1x8x128xf32, #tpu.memory_space<vmem>> -> memref<8x128xf32, #tpu.memory_space<vmem>>
    %dma_start3A_173 = tpu.memref_slice %arg2[%multiple_of3A_167, %multiple_of3A] : memref<100000x1024xf32, #tpu.memory_space<hbm>> -> memref<8x128xf32, #tpu.memory_space<hbm>>
    %dma_start3A_174 = arith.constant 0 : i32
    %dma_start3A_175 = arith.constant 0 : i32
    %dma_start3A_176 = tpu.memref_slice %arg6[%dma_start3A_168, %dma_start3A_174, %dma_start3A_175] : memref<32x8x128xf32, #tpu.memory_space<vmem>> -> memref<1x8x128xf32, #tpu.memory_space<vmem>>
    %dma_start3A_177 = tpu.memref_squeeze %dma_start3A_176 : memref<1x8x128xf32, #tpu.memory_space<vmem>> -> memref<8x128xf32, #tpu.memory_space<vmem>>
    %dma_start3A_178 = tpu.memref_slice %arg2[%multiple_of3A_167, %multiple_of3A] : memref<100000x1024xf32, #tpu.memory_space<hbm>> -> memref<8x128xf32, #tpu.memory_space<hbm>>
    tpu.enqueue_dma source(%dma_start3A_178 : memref<8x128xf32, #tpu.memory_space<hbm>>) target(%dma_start3A_177 : memref<8x128xf32, #tpu.memory_space<vmem>>) target_semaphore(%arg10 : memref<!tpu.dma_semaphore, #tpu.memory_space<semaphore_mem>>)
    %slice3A_179 = vector.extract_strided_slice %get3A_21 {offsets = [9], sizes = [1], strides = [1]} : vector<16xi32> to vector<1xi32>
    %squeeze3A_180 = vector.extract %slice3A_179[0] : i32 from vector<1xi32>
    %shift_right_arithmetic3A_181 = arith.constant 3 : i32
    %shift_right_arithmetic3A_182 = arith.shrsi %squeeze3A_180, %shift_right_arithmetic3A_181 : i32
    %shift_left3A_183 = arith.constant 3 : i32
    %shift_left3A_184 = arith.shli %shift_right_arithmetic3A_182, %shift_left3A_183 : i32
    %multiple_of3A_185 = tpu.assume_multiple %shift_left3A_184, 8 : i32
    %dma_start3A_186 = arith.constant 9 : i32
    %dma_start3A_187 = arith.constant 0 : i32
    %dma_start3A_188 = arith.constant 0 : i32
    %dma_start3A_189 = tpu.memref_slice %arg6[%dma_start3A_186, %dma_start3A_187, %dma_start3A_188] : memref<32x8x128xf32, #tpu.memory_space<vmem>> -> memref<1x8x128xf32, #tpu.memory_space<vmem>>
    %dma_start3A_190 = tpu.memref_squeeze %dma_start3A_189 : memref<1x8x128xf32, #tpu.memory_space<vmem>> -> memref<8x128xf32, #tpu.memory_space<vmem>>
    %dma_start3A_191 = tpu.memref_slice %arg2[%multiple_of3A_185, %multiple_of3A] : memref<100000x1024xf32, #tpu.memory_space<hbm>> -> memref<8x128xf32, #tpu.memory_space<hbm>>
    %dma_start3A_192 = arith.constant 0 : i32
    %dma_start3A_193 = arith.constant 0 : i32
    %dma_start3A_194 = tpu.memref_slice %arg6[%dma_start3A_186, %dma_start3A_192, %dma_start3A_193] : memref<32x8x128xf32, #tpu.memory_space<vmem>> -> memref<1x8x128xf32, #tpu.memory_space<vmem>>
    %dma_start3A_195 = tpu.memref_squeeze %dma_start3A_194 : memref<1x8x128xf32, #tpu.memory_space<vmem>> -> memref<8x128xf32, #tpu.memory_space<vmem>>
    %dma_start3A_196 = tpu.memref_slice %arg2[%multiple_of3A_185, %multiple_of3A] : memref<100000x1024xf32, #tpu.memory_space<hbm>> -> memref<8x128xf32, #tpu.memory_space<hbm>>
    tpu.enqueue_dma source(%dma_start3A_196 : memref<8x128xf32, #tpu.memory_space<hbm>>) target(%dma_start3A_195 : memref<8x128xf32, #tpu.memory_space<vmem>>) target_semaphore(%arg10 : memref<!tpu.dma_semaphore, #tpu.memory_space<semaphore_mem>>)
    %slice3A_197 = vector.extract_strided_slice %get3A_21 {offsets = [10], sizes = [1], strides = [1]} : vector<16xi32> to vector<1xi32>
    %squeeze3A_198 = vector.extract %slice3A_197[0] : i32 from vector<1xi32>
    %shift_right_arithmetic3A_199 = arith.constant 3 : i32
    %shift_right_arithmetic3A_200 = arith.shrsi %squeeze3A_198, %shift_right_arithmetic3A_199 : i32
    %shift_left3A_201 = arith.constant 3 : i32
    %shift_left3A_202 = arith.shli %shift_right_arithmetic3A_200, %shift_left3A_201 : i32
    %multiple_of3A_203 = tpu.assume_multiple %shift_left3A_202, 8 : i32
    %dma_start3A_204 = arith.constant 10 : i32
    %dma_start3A_205 = arith.constant 0 : i32
    %dma_start3A_206 = arith.constant 0 : i32
    %dma_start3A_207 = tpu.memref_slice %arg6[%dma_start3A_204, %dma_start3A_205, %dma_start3A_206] : memref<32x8x128xf32, #tpu.memory_space<vmem>> -> memref<1x8x128xf32, #tpu.memory_space<vmem>>
    %dma_start3A_208 = tpu.memref_squeeze %dma_start3A_207 : memref<1x8x128xf32, #tpu.memory_space<vmem>> -> memref<8x128xf32, #tpu.memory_space<vmem>>
    %dma_start3A_209 = tpu.memref_slice %arg2[%multiple_of3A_203, %multiple_of3A] : memref<100000x1024xf32, #tpu.memory_space<hbm>> -> memref<8x128xf32, #tpu.memory_space<hbm>>
    %dma_start3A_210 = arith.constant 0 : i32
    %dma_start3A_211 = arith.constant 0 : i32
    %dma_start3A_212 = tpu.memref_slice %arg6[%dma_start3A_204, %dma_start3A_210, %dma_start3A_211] : memref<32x8x128xf32, #tpu.memory_space<vmem>> -> memref<1x8x128xf32, #tpu.memory_space<vmem>>
    %dma_start3A_213 = tpu.memref_squeeze %dma_start3A_212 : memref<1x8x128xf32, #tpu.memory_space<vmem>> -> memref<8x128xf32, #tpu.memory_space<vmem>>
    %dma_start3A_214 = tpu.memref_slice %arg2[%multiple_of3A_203, %multiple_of3A] : memref<100000x1024xf32, #tpu.memory_space<hbm>> -> memref<8x128xf32, #tpu.memory_space<hbm>>
    tpu.enqueue_dma source(%dma_start3A_214 : memref<8x128xf32, #tpu.memory_space<hbm>>) target(%dma_start3A_213 : memref<8x128xf32, #tpu.memory_space<vmem>>) target_semaphore(%arg10 : memref<!tpu.dma_semaphore, #tpu.memory_space<semaphore_mem>>)
    %slice3A_215 = vector.extract_strided_slice %get3A_21 {offsets = [11], sizes = [1], strides = [1]} : vector<16xi32> to vector<1xi32>
    %squeeze3A_216 = vector.extract %slice3A_215[0] : i32 from vector<1xi32>
    %shift_right_arithmetic3A_217 = arith.constant 3 : i32
    %shift_right_arithmetic3A_218 = arith.shrsi %squeeze3A_216, %shift_right_arithmetic3A_217 : i32
    %shift_left3A_219 = arith.constant 3 : i32
    %shift_left3A_220 = arith.shli %shift_right_arithmetic3A_218, %shift_left3A_219 : i32
    %multiple_of3A_221 = tpu.assume_multiple %shift_left3A_220, 8 : i32
    %dma_start3A_222 = arith.constant 11 : i32
    %dma_start3A_223 = arith.constant 0 : i32
    %dma_start3A_224 = arith.constant 0 : i32
    %dma_start3A_225 = tpu.memref_slice %arg6[%dma_start3A_222, %dma_start3A_223, %dma_start3A_224] : memref<32x8x128xf32, #tpu.memory_space<vmem>> -> memref<1x8x128xf32, #tpu.memory_space<vmem>>
    %dma_start3A_226 = tpu.memref_squeeze %dma_start3A_225 : memref<1x8x128xf32, #tpu.memory_space<vmem>> -> memref<8x128xf32, #tpu.memory_space<vmem>>
    %dma_start3A_227 = tpu.memref_slice %arg2[%multiple_of3A_221, %multiple_of3A] : memref<100000x1024xf32, #tpu.memory_space<hbm>> -> memref<8x128xf32, #tpu.memory_space<hbm>>
    %dma_start3A_228 = arith.constant 0 : i32
    %dma_start3A_229 = arith.constant 0 : i32
    %dma_start3A_230 = tpu.memref_slice %arg6[%dma_start3A_222, %dma_start3A_228, %dma_start3A_229] : memref<32x8x128xf32, #tpu.memory_space<vmem>> -> memref<1x8x128xf32, #tpu.memory_space<vmem>>
    %dma_start3A_231 = tpu.memref_squeeze %dma_start3A_230 : memref<1x8x128xf32, #tpu.memory_space<vmem>> -> memref<8x128xf32, #tpu.memory_space<vmem>>
    %dma_start3A_232 = tpu.memref_slice %arg2[%multiple_of3A_221, %multiple_of3A] : memref<100000x1024xf32, #tpu.memory_space<hbm>> -> memref<8x128xf32, #tpu.memory_space<hbm>>
    tpu.enqueue_dma source(%dma_start3A_232 : memref<8x128xf32, #tpu.memory_space<hbm>>) target(%dma_start3A_231 : memref<8x128xf32, #tpu.memory_space<vmem>>) target_semaphore(%arg10 : memref<!tpu.dma_semaphore, #tpu.memory_space<semaphore_mem>>)
    %slice3A_233 = vector.extract_strided_slice %get3A_21 {offsets = [12], sizes = [1], strides = [1]} : vector<16xi32> to vector<1xi32>
    %squeeze3A_234 = vector.extract %slice3A_233[0] : i32 from vector<1xi32>
    %shift_right_arithmetic3A_235 = arith.constant 3 : i32
    %shift_right_arithmetic3A_236 = arith.shrsi %squeeze3A_234, %shift_right_arithmetic3A_235 : i32
    %shift_left3A_237 = arith.constant 3 : i32
    %shift_left3A_238 = arith.shli %shift_right_arithmetic3A_236, %shift_left3A_237 : i32
    %multiple_of3A_239 = tpu.assume_multiple %shift_left3A_238, 8 : i32
    %dma_start3A_240 = arith.constant 12 : i32
    %dma_start3A_241 = arith.constant 0 : i32
    %dma_start3A_242 = arith.constant 0 : i32
    %dma_start3A_243 = tpu.memref_slice %arg6[%dma_start3A_240, %dma_start3A_241, %dma_start3A_242] : memref<32x8x128xf32, #tpu.memory_space<vmem>> -> memref<1x8x128xf32, #tpu.memory_space<vmem>>
    %dma_start3A_244 = tpu.memref_squeeze %dma_start3A_243 : memref<1x8x128xf32, #tpu.memory_space<vmem>> -> memref<8x128xf32, #tpu.memory_space<vmem>>
    %dma_start3A_245 = tpu.memref_slice %arg2[%multiple_of3A_239, %multiple_of3A] : memref<100000x1024xf32, #tpu.memory_space<hbm>> -> memref<8x128xf32, #tpu.memory_space<hbm>>
    %dma_start3A_246 = arith.constant 0 : i32
    %dma_start3A_247 = arith.constant 0 : i32
    %dma_start3A_248 = tpu.memref_slice %arg6[%dma_start3A_240, %dma_start3A_246, %dma_start3A_247] : memref<32x8x128xf32, #tpu.memory_space<vmem>> -> memref<1x8x128xf32, #tpu.memory_space<vmem>>
    %dma_start3A_249 = tpu.memref_squeeze %dma_start3A_248 : memref<1x8x128xf32, #tpu.memory_space<vmem>> -> memref<8x128xf32, #tpu.memory_space<vmem>>
    %dma_start3A_250 = tpu.memref_slice %arg2[%multiple_of3A_239, %multiple_of3A] : memref<100000x1024xf32, #tpu.memory_space<hbm>> -> memref<8x128xf32, #tpu.memory_space<hbm>>
    tpu.enqueue_dma source(%dma_start3A_250 : memref<8x128xf32, #tpu.memory_space<hbm>>) target(%dma_start3A_249 : memref<8x128xf32, #tpu.memory_space<vmem>>) target_semaphore(%arg10 : memref<!tpu.dma_semaphore, #tpu.memory_space<semaphore_mem>>)
    %slice3A_251 = vector.extract_strided_slice %get3A_21 {offsets = [13], sizes = [1], strides = [1]} : vector<16xi32> to vector<1xi32>
    %squeeze3A_252 = vector.extract %slice3A_251[0] : i32 from vector<1xi32>
    %shift_right_arithmetic3A_253 = arith.constant 3 : i32
    %shift_right_arithmetic3A_254 = arith.shrsi %squeeze3A_252, %shift_right_arithmetic3A_253 : i32
    %shift_left3A_255 = arith.constant 3 : i32
    %shift_left3A_256 = arith.shli %shift_right_arithmetic3A_254, %shift_left3A_255 : i32
    %multiple_of3A_257 = tpu.assume_multiple %shift_left3A_256, 8 : i32
    %dma_start3A_258 = arith.constant 13 : i32
    %dma_start3A_259 = arith.constant 0 : i32
    %dma_start3A_260 = arith.constant 0 : i32
    %dma_start3A_261 = tpu.memref_slice %arg6[%dma_start3A_258, %dma_start3A_259, %dma_start3A_260] : memref<32x8x128xf32, #tpu.memory_space<vmem>> -> memref<1x8x128xf32, #tpu.memory_space<vmem>>
    %dma_start3A_262 = tpu.memref_squeeze %dma_start3A_261 : memref<1x8x128xf32, #tpu.memory_space<vmem>> -> memref<8x128xf32, #tpu.memory_space<vmem>>
    %dma_start3A_263 = tpu.memref_slice %arg2[%multiple_of3A_257, %multiple_of3A] : memref<100000x1024xf32, #tpu.memory_space<hbm>> -> memref<8x128xf32, #tpu.memory_space<hbm>>
    %dma_start3A_264 = arith.constant 0 : i32
    %dma_start3A_265 = arith.constant 0 : i32
    %dma_start3A_266 = tpu.memref_slice %arg6[%dma_start3A_258, %dma_start3A_264, %dma_start3A_265] : memref<32x8x128xf32, #tpu.memory_space<vmem>> -> memref<1x8x128xf32, #tpu.memory_space<vmem>>
    %dma_start3A_267 = tpu.memref_squeeze %dma_start3A_266 : memref<1x8x128xf32, #tpu.memory_space<vmem>> -> memref<8x128xf32, #tpu.memory_space<vmem>>
    %dma_start3A_268 = tpu.memref_slice %arg2[%multiple_of3A_257, %multiple_of3A] : memref<100000x1024xf32, #tpu.memory_space<hbm>> -> memref<8x128xf32, #tpu.memory_space<hbm>>
    tpu.enqueue_dma source(%dma_start3A_268 : memref<8x128xf32, #tpu.memory_space<hbm>>) target(%dma_start3A_267 : memref<8x128xf32, #tpu.memory_space<vmem>>) target_semaphore(%arg10 : memref<!tpu.dma_semaphore, #tpu.memory_space<semaphore_mem>>)
    %slice3A_269 = vector.extract_strided_slice %get3A_21 {offsets = [14], sizes = [1], strides = [1]} : vector<16xi32> to vector<1xi32>
    %squeeze3A_270 = vector.extract %slice3A_269[0] : i32 from vector<1xi32>
    %shift_right_arithmetic3A_271 = arith.constant 3 : i32
    %shift_right_arithmetic3A_272 = arith.shrsi %squeeze3A_270, %shift_right_arithmetic3A_271 : i32
    %shift_left3A_273 = arith.constant 3 : i32
    %shift_left3A_274 = arith.shli %shift_right_arithmetic3A_272, %shift_left3A_273 : i32
    %multiple_of3A_275 = tpu.assume_multiple %shift_left3A_274, 8 : i32
    %dma_start3A_276 = arith.constant 14 : i32
    %dma_start3A_277 = arith.constant 0 : i32
    %dma_start3A_278 = arith.constant 0 : i32
    %dma_start3A_279 = tpu.memref_slice %arg6[%dma_start3A_276, %dma_start3A_277, %dma_start3A_278] : memref<32x8x128xf32, #tpu.memory_space<vmem>> -> memref<1x8x128xf32, #tpu.memory_space<vmem>>
    %dma_start3A_280 = tpu.memref_squeeze %dma_start3A_279 : memref<1x8x128xf32, #tpu.memory_space<vmem>> -> memref<8x128xf32, #tpu.memory_space<vmem>>
    %dma_start3A_281 = tpu.memref_slice %arg2[%multiple_of3A_275, %multiple_of3A] : memref<100000x1024xf32, #tpu.memory_space<hbm>> -> memref<8x128xf32, #tpu.memory_space<hbm>>
    %dma_start3A_282 = arith.constant 0 : i32
    %dma_start3A_283 = arith.constant 0 : i32
    %dma_start3A_284 = tpu.memref_slice %arg6[%dma_start3A_276, %dma_start3A_282, %dma_start3A_283] : memref<32x8x128xf32, #tpu.memory_space<vmem>> -> memref<1x8x128xf32, #tpu.memory_space<vmem>>
    %dma_start3A_285 = tpu.memref_squeeze %dma_start3A_284 : memref<1x8x128xf32, #tpu.memory_space<vmem>> -> memref<8x128xf32, #tpu.memory_space<vmem>>
    %dma_start3A_286 = tpu.memref_slice %arg2[%multiple_of3A_275, %multiple_of3A] : memref<100000x1024xf32, #tpu.memory_space<hbm>> -> memref<8x128xf32, #tpu.memory_space<hbm>>
    tpu.enqueue_dma source(%dma_start3A_286 : memref<8x128xf32, #tpu.memory_space<hbm>>) target(%dma_start3A_285 : memref<8x128xf32, #tpu.memory_space<vmem>>) target_semaphore(%arg10 : memref<!tpu.dma_semaphore, #tpu.memory_space<semaphore_mem>>)
    %slice3A_287 = vector.extract_strided_slice %get3A_21 {offsets = [15], sizes = [1], strides = [1]} : vector<16xi32> to vector<1xi32>
    %squeeze3A_288 = vector.extract %slice3A_287[0] : i32 from vector<1xi32>
    %shift_right_arithmetic3A_289 = arith.constant 3 : i32
    %shift_right_arithmetic3A_290 = arith.shrsi %squeeze3A_288, %shift_right_arithmetic3A_289 : i32
    %shift_left3A_291 = arith.constant 3 : i32
    %shift_left3A_292 = arith.shli %shift_right_arithmetic3A_290, %shift_left3A_291 : i32
    %multiple_of3A_293 = tpu.assume_multiple %shift_left3A_292, 8 : i32
    %dma_start3A_294 = arith.constant 15 : i32
    %dma_start3A_295 = arith.constant 0 : i32
    %dma_start3A_296 = arith.constant 0 : i32
    %dma_start3A_297 = tpu.memref_slice %arg6[%dma_start3A_294, %dma_start3A_295, %dma_start3A_296] : memref<32x8x128xf32, #tpu.memory_space<vmem>> -> memref<1x8x128xf32, #tpu.memory_space<vmem>>
    %dma_start3A_298 = tpu.memref_squeeze %dma_start3A_297 : memref<1x8x128xf32, #tpu.memory_space<vmem>> -> memref<8x128xf32, #tpu.memory_space<vmem>>
    %dma_start3A_299 = tpu.memref_slice %arg2[%multiple_of3A_293, %multiple_of3A] : memref<100000x1024xf32, #tpu.memory_space<hbm>> -> memref<8x128xf32, #tpu.memory_space<hbm>>
    %dma_start3A_300 = arith.constant 0 : i32
    %dma_start3A_301 = arith.constant 0 : i32
    %dma_start3A_302 = tpu.memref_slice %arg6[%dma_start3A_294, %dma_start3A_300, %dma_start3A_301] : memref<32x8x128xf32, #tpu.memory_space<vmem>> -> memref<1x8x128xf32, #tpu.memory_space<vmem>>
    %dma_start3A_303 = tpu.memref_squeeze %dma_start3A_302 : memref<1x8x128xf32, #tpu.memory_space<vmem>> -> memref<8x128xf32, #tpu.memory_space<vmem>>
    %dma_start3A_304 = tpu.memref_slice %arg2[%multiple_of3A_293, %multiple_of3A] : memref<100000x1024xf32, #tpu.memory_space<hbm>> -> memref<8x128xf32, #tpu.memory_space<hbm>>
    tpu.enqueue_dma source(%dma_start3A_304 : memref<8x128xf32, #tpu.memory_space<hbm>>) target(%dma_start3A_303 : memref<8x128xf32, #tpu.memory_space<vmem>>) target_semaphore(%arg10 : memref<!tpu.dma_semaphore, #tpu.memory_space<semaphore_mem>>)
    %get3A_305 = arith.constant 16 : index
    %get3A_306 = tpu.vector_load %arg5[%get3A_305] {strides = array<i32>} : memref<32xi32, #tpu.memory_space<vmem>>, vector<16xi32>,
    %slice3A_307 = vector.extract_strided_slice %get3A_306 {offsets = [0], sizes = [1], strides = [1]} : vector<16xi32> to vector<1xi32>
    %squeeze3A_308 = vector.extract %slice3A_307[0] : i32 from vector<1xi32>
    %shift_right_arithmetic3A_309 = arith.constant 3 : i32
    %shift_right_arithmetic3A_310 = arith.shrsi %squeeze3A_308, %shift_right_arithmetic3A_309 : i32
    %shift_left3A_311 = arith.constant 3 : i32
    %shift_left3A_312 = arith.shli %shift_right_arithmetic3A_310, %shift_left3A_311 : i32
    %multiple_of3A_313 = tpu.assume_multiple %shift_left3A_312, 8 : i32
    %dma_start3A_314 = arith.constant 16 : i32
    %dma_start3A_315 = arith.constant 0 : i32
    %dma_start3A_316 = arith.constant 0 : i32
    %dma_start3A_317 = tpu.memref_slice %arg6[%dma_start3A_314, %dma_start3A_315, %dma_start3A_316] : memref<32x8x128xf32, #tpu.memory_space<vmem>> -> memref<1x8x128xf32, #tpu.memory_space<vmem>>
    %dma_start3A_318 = tpu.memref_squeeze %dma_start3A_317 : memref<1x8x128xf32, #tpu.memory_space<vmem>> -> memref<8x128xf32, #tpu.memory_space<vmem>>
    %dma_start3A_319 = tpu.memref_slice %arg2[%multiple_of3A_313, %multiple_of3A] : memref<100000x1024xf32, #tpu.memory_space<hbm>> -> memref<8x128xf32, #tpu.memory_space<hbm>>
    %dma_start3A_320 = arith.constant 0 : i32
    %dma_start3A_321 = arith.constant 0 : i32
    %dma_start3A_322 = tpu.memref_slice %arg6[%dma_start3A_314, %dma_start3A_320, %dma_start3A_321] : memref<32x8x128xf32, #tpu.memory_space<vmem>> -> memref<1x8x128xf32, #tpu.memory_space<vmem>>
    %dma_start3A_323 = tpu.memref_squeeze %dma_start3A_322 : memref<1x8x128xf32, #tpu.memory_space<vmem>> -> memref<8x128xf32, #tpu.memory_space<vmem>>
    %dma_start3A_324 = tpu.memref_slice %arg2[%multiple_of3A_313, %multiple_of3A] : memref<100000x1024xf32, #tpu.memory_space<hbm>> -> memref<8x128xf32, #tpu.memory_space<hbm>>
    tpu.enqueue_dma source(%dma_start3A_324 : memref<8x128xf32, #tpu.memory_space<hbm>>) target(%dma_start3A_323 : memref<8x128xf32, #tpu.memory_space<vmem>>) target_semaphore(%arg10 : memref<!tpu.dma_semaphore, #tpu.memory_space<semaphore_mem>>)
    %slice3A_325 = vector.extract_strided_slice %get3A_306 {offsets = [1], sizes = [1], strides = [1]} : vector<16xi32> to vector<1xi32>
    %squeeze3A_326 = vector.extract %slice3A_325[0] : i32 from vector<1xi32>
    %shift_right_arithmetic3A_327 = arith.constant 3 : i32
    %shift_right_arithmetic3A_328 = arith.shrsi %squeeze3A_326, %shift_right_arithmetic3A_327 : i32
    %shift_left3A_329 = arith.constant 3 : i32
    %shift_left3A_330 = arith.shli %shift_right_arithmetic3A_328, %shift_left3A_329 : i32
    %multiple_of3A_331 = tpu.assume_multiple %shift_left3A_330, 8 : i32
    %dma_start3A_332 = arith.constant 17 : i32
    %dma_start3A_333 = arith.constant 0 : i32
    %dma_start3A_334 = arith.constant 0 : i32
    %dma_start3A_335 = tpu.memref_slice %arg6[%dma_start3A_332, %dma_start3A_333, %dma_start3A_334] : memref<32x8x128xf32, #tpu.memory_space<vmem>> -> memref<1x8x128xf32, #tpu.memory_space<vmem>>
    %dma_start3A_336 = tpu.memref_squeeze %dma_start3A_335 : memref<1x8x128xf32, #tpu.memory_space<vmem>> -> memref<8x128xf32, #tpu.memory_space<vmem>>
    %dma_start3A_337 = tpu.memref_slice %arg2[%multiple_of3A_331, %multiple_of3A] : memref<100000x1024xf32, #tpu.memory_space<hbm>> -> memref<8x128xf32, #tpu.memory_space<hbm>>
    %dma_start3A_338 = arith.constant 0 : i32
    %dma_start3A_339 = arith.constant 0 : i32
    %dma_start3A_340 = tpu.memref_slice %arg6[%dma_start3A_332, %dma_start3A_338, %dma_start3A_339] : memref<32x8x128xf32, #tpu.memory_space<vmem>> -> memref<1x8x128xf32, #tpu.memory_space<vmem>>
    %dma_start3A_341 = tpu.memref_squeeze %dma_start3A_340 : memref<1x8x128xf32, #tpu.memory_space<vmem>> -> memref<8x128xf32, #tpu.memory_space<vmem>>
    %dma_start3A_342 = tpu.memref_slice %arg2[%multiple_of3A_331, %multiple_of3A] : memref<100000x1024xf32, #tpu.memory_space<hbm>> -> memref<8x128xf32, #tpu.memory_space<hbm>>
    tpu.enqueue_dma source(%dma_start3A_342 : memref<8x128xf32, #tpu.memory_space<hbm>>) target(%dma_start3A_341 : memref<8x128xf32, #tpu.memory_space<vmem>>) target_semaphore(%arg10 : memref<!tpu.dma_semaphore, #tpu.memory_space<semaphore_mem>>)
    %slice3A_343 = vector.extract_strided_slice %get3A_306 {offsets = [2], sizes = [1], strides = [1]} : vector<16xi32> to vector<1xi32>
    %squeeze3A_344 = vector.extract %slice3A_343[0] : i32 from vector<1xi32>
    %shift_right_arithmetic3A_345 = arith.constant 3 : i32
    %shift_right_arithmetic3A_346 = arith.shrsi %squeeze3A_344, %shift_right_arithmetic3A_345 : i32
    %shift_left3A_347 = arith.constant 3 : i32
    %shift_left3A_348 = arith.shli %shift_right_arithmetic3A_346, %shift_left3A_347 : i32
    %multiple_of3A_349 = tpu.assume_multiple %shift_left3A_348, 8 : i32
    %dma_start3A_350 = arith.constant 18 : i32
    %dma_start3A_351 = arith.constant 0 : i32
    %dma_start3A_352 = arith.constant 0 : i32
    %dma_start3A_353 = tpu.memref_slice %arg6[%dma_start3A_350, %dma_start3A_351, %dma_start3A_352] : memref<32x8x128xf32, #tpu.memory_space<vmem>> -> memref<1x8x128xf32, #tpu.memory_space<vmem>>
    %dma_start3A_354 = tpu.memref_squeeze %dma_start3A_353 : memref<1x8x128xf32, #tpu.memory_space<vmem>> -> memref<8x128xf32, #tpu.memory_space<vmem>>
    %dma_start3A_355 = tpu.memref_slice %arg2[%multiple_of3A_349, %multiple_of3A] : memref<100000x1024xf32, #tpu.memory_space<hbm>> -> memref<8x128xf32, #tpu.memory_space<hbm>>
    %dma_start3A_356 = arith.constant 0 : i32
    %dma_start3A_357 = arith.constant 0 : i32
    %dma_start3A_358 = tpu.memref_slice %arg6[%dma_start3A_350, %dma_start3A_356, %dma_start3A_357] : memref<32x8x128xf32, #tpu.memory_space<vmem>> -> memref<1x8x128xf32, #tpu.memory_space<vmem>>
    %dma_start3A_359 = tpu.memref_squeeze %dma_start3A_358 : memref<1x8x128xf32, #tpu.memory_space<vmem>> -> memref<8x128xf32, #tpu.memory_space<vmem>>
    %dma_start3A_360 = tpu.memref_slice %arg2[%multiple_of3A_349, %multiple_of3A] : memref<100000x1024xf32, #tpu.memory_space<hbm>> -> memref<8x128xf32, #tpu.memory_space<hbm>>
    tpu.enqueue_dma source(%dma_start3A_360 : memref<8x128xf32, #tpu.memory_space<hbm>>) target(%dma_start3A_359 : memref<8x128xf32, #tpu.memory_space<vmem>>) target_semaphore(%arg10 : memref<!tpu.dma_semaphore, #tpu.memory_space<semaphore_mem>>)
    %slice3A_361 = vector.extract_strided_slice %get3A_306 {offsets = [3], sizes = [1], strides = [1]} : vector<16xi32> to vector<1xi32>
    %squeeze3A_362 = vector.extract %slice3A_361[0] : i32 from vector<1xi32>
    %shift_right_arithmetic3A_363 = arith.constant 3 : i32
    %shift_right_arithmetic3A_364 = arith.shrsi %squeeze3A_362, %shift_right_arithmetic3A_363 : i32
    %shift_left3A_365 = arith.constant 3 : i32
    %shift_left3A_366 = arith.shli %shift_right_arithmetic3A_364, %shift_left3A_365 : i32
    %multiple_of3A_367 = tpu.assume_multiple %shift_left3A_366, 8 : i32
    %dma_start3A_368 = arith.constant 19 : i32
    %dma_start3A_369 = arith.constant 0 : i32
    %dma_start3A_370 = arith.constant 0 : i32
    %dma_start3A_371 = tpu.memref_slice %arg6[%dma_start3A_368, %dma_start3A_369, %dma_start3A_370] : memref<32x8x128xf32, #tpu.memory_space<vmem>> -> memref<1x8x128xf32, #tpu.memory_space<vmem>>
    %dma_start3A_372 = tpu.memref_squeeze %dma_start3A_371 : memref<1x8x128xf32, #tpu.memory_space<vmem>> -> memref<8x128xf32, #tpu.memory_space<vmem>>
    %dma_start3A_373 = tpu.memref_slice %arg2[%multiple_of3A_367, %multiple_of3A] : memref<100000x1024xf32, #tpu.memory_space<hbm>> -> memref<8x128xf32, #tpu.memory_space<hbm>>
    %dma_start3A_374 = arith.constant 0 : i32
    %dma_start3A_375 = arith.constant 0 : i32
    %dma_start3A_376 = tpu.memref_slice %arg6[%dma_start3A_368, %dma_start3A_374, %dma_start3A_375] : memref<32x8x128xf32, #tpu.memory_space<vmem>> -> memref<1x8x128xf32, #tpu.memory_space<vmem>>
    %dma_start3A_377 = tpu.memref_squeeze %dma_start3A_376 : memref<1x8x128xf32, #tpu.memory_space<vmem>> -> memref<8x128xf32, #tpu.memory_space<vmem>>
    %dma_start3A_378 = tpu.memref_slice %arg2[%multiple_of3A_367, %multiple_of3A] : memref<100000x1024xf32, #tpu.memory_space<hbm>> -> memref<8x128xf32, #tpu.memory_space<hbm>>
    tpu.enqueue_dma source(%dma_start3A_378 : memref<8x128xf32, #tpu.memory_space<hbm>>) target(%dma_start3A_377 : memref<8x128xf32, #tpu.memory_space<vmem>>) target_semaphore(%arg10 : memref<!tpu.dma_semaphore, #tpu.memory_space<semaphore_mem>>)
    %slice3A_379 = vector.extract_strided_slice %get3A_306 {offsets = [4], sizes = [1], strides = [1]} : vector<16xi32> to vector<1xi32>
    %squeeze3A_380 = vector.extract %slice3A_379[0] : i32 from vector<1xi32>
    %shift_right_arithmetic3A_381 = arith.constant 3 : i32
    %shift_right_arithmetic3A_382 = arith.shrsi %squeeze3A_380, %shift_right_arithmetic3A_381 : i32
    %shift_left3A_383 = arith.constant 3 : i32
    %shift_left3A_384 = arith.shli %shift_right_arithmetic3A_382, %shift_left3A_383 : i32
    %multiple_of3A_385 = tpu.assume_multiple %shift_left3A_384, 8 : i32
    %dma_start3A_386 = arith.constant 20 : i32
    %dma_start3A_387 = arith.constant 0 : i32
    %dma_start3A_388 = arith.constant 0 : i32
    %dma_start3A_389 = tpu.memref_slice %arg6[%dma_start3A_386, %dma_start3A_387, %dma_start3A_388] : memref<32x8x128xf32, #tpu.memory_space<vmem>> -> memref<1x8x128xf32, #tpu.memory_space<vmem>>
    %dma_start3A_390 = tpu.memref_squeeze %dma_start3A_389 : memref<1x8x128xf32, #tpu.memory_space<vmem>> -> memref<8x128xf32, #tpu.memory_space<vmem>>
    %dma_start3A_391 = tpu.memref_slice %arg2[%multiple_of3A_385, %multiple_of3A] : memref<100000x1024xf32, #tpu.memory_space<hbm>> -> memref<8x128xf32, #tpu.memory_space<hbm>>
    %dma_start3A_392 = arith.constant 0 : i32
    %dma_start3A_393 = arith.constant 0 : i32
    %dma_start3A_394 = tpu.memref_slice %arg6[%dma_start3A_386, %dma_start3A_392, %dma_start3A_393] : memref<32x8x128xf32, #tpu.memory_space<vmem>> -> memref<1x8x128xf32, #tpu.memory_space<vmem>>
    %dma_start3A_395 = tpu.memref_squeeze %dma_start3A_394 : memref<1x8x128xf32, #tpu.memory_space<vmem>> -> memref<8x128xf32, #tpu.memory_space<vmem>>
    %dma_start3A_396 = tpu.memref_slice %arg2[%multiple_of3A_385, %multiple_of3A] : memref<100000x1024xf32, #tpu.memory_space<hbm>> -> memref<8x128xf32, #tpu.memory_space<hbm>>
    tpu.enqueue_dma source(%dma_start3A_396 : memref<8x128xf32, #tpu.memory_space<hbm>>) target(%dma_start3A_395 : memref<8x128xf32, #tpu.memory_space<vmem>>) target_semaphore(%arg10 : memref<!tpu.dma_semaphore, #tpu.memory_space<semaphore_mem>>)
    %slice3A_397 = vector.extract_strided_slice %get3A_306 {offsets = [5], sizes = [1], strides = [1]} : vector<16xi32> to vector<1xi32>
    %squeeze3A_398 = vector.extract %slice3A_397[0] : i32 from vector<1xi32>
    %shift_right_arithmetic3A_399 = arith.constant 3 : i32
    %shift_right_arithmetic3A_400 = arith.shrsi %squeeze3A_398, %shift_right_arithmetic3A_399 : i32
    %shift_left3A_401 = arith.constant 3 : i32
    %shift_left3A_402 = arith.shli %shift_right_arithmetic3A_400, %shift_left3A_401 : i32
    %multiple_of3A_403 = tpu.assume_multiple %shift_left3A_402, 8 : i32
    %dma_start3A_404 = arith.constant 21 : i32
    %dma_start3A_405 = arith.constant 0 : i32
    %dma_start3A_406 = arith.constant 0 : i32
    %dma_start3A_407 = tpu.memref_slice %arg6[%dma_start3A_404, %dma_start3A_405, %dma_start3A_406] : memref<32x8x128xf32, #tpu.memory_space<vmem>> -> memref<1x8x128xf32, #tpu.memory_space<vmem>>
    %dma_start3A_408 = tpu.memref_squeeze %dma_start3A_407 : memref<1x8x128xf32, #tpu.memory_space<vmem>> -> memref<8x128xf32, #tpu.memory_space<vmem>>
    %dma_start3A_409 = tpu.memref_slice %arg2[%multiple_of3A_403, %multiple_of3A] : memref<100000x1024xf32, #tpu.memory_space<hbm>> -> memref<8x128xf32, #tpu.memory_space<hbm>>
    %dma_start3A_410 = arith.constant 0 : i32
    %dma_start3A_411 = arith.constant 0 : i32
    %dma_start3A_412 = tpu.memref_slice %arg6[%dma_start3A_404, %dma_start3A_410, %dma_start3A_411] : memref<32x8x128xf32, #tpu.memory_space<vmem>> -> memref<1x8x128xf32, #tpu.memory_space<vmem>>
    %dma_start3A_413 = tpu.memref_squeeze %dma_start3A_412 : memref<1x8x128xf32, #tpu.memory_space<vmem>> -> memref<8x128xf32, #tpu.memory_space<vmem>>
    %dma_start3A_414 = tpu.memref_slice %arg2[%multiple_of3A_403, %multiple_of3A] : memref<100000x1024xf32, #tpu.memory_space<hbm>> -> memref<8x128xf32, #tpu.memory_space<hbm>>
    tpu.enqueue_dma source(%dma_start3A_414 : memref<8x128xf32, #tpu.memory_space<hbm>>) target(%dma_start3A_413 : memref<8x128xf32, #tpu.memory_space<vmem>>) target_semaphore(%arg10 : memref<!tpu.dma_semaphore, #tpu.memory_space<semaphore_mem>>)
    %slice3A_415 = vector.extract_strided_slice %get3A_306 {offsets = [6], sizes = [1], strides = [1]} : vector<16xi32> to vector<1xi32>
    %squeeze3A_416 = vector.extract %slice3A_415[0] : i32 from vector<1xi32>
    %shift_right_arithmetic3A_417 = arith.constant 3 : i32
    %shift_right_arithmetic3A_418 = arith.shrsi %squeeze3A_416, %shift_right_arithmetic3A_417 : i32
    %shift_left3A_419 = arith.constant 3 : i32
    %shift_left3A_420 = arith.shli %shift_right_arithmetic3A_418, %shift_left3A_419 : i32
    %multiple_of3A_421 = tpu.assume_multiple %shift_left3A_420, 8 : i32
    %dma_start3A_422 = arith.constant 22 : i32
    %dma_start3A_423 = arith.constant 0 : i32
    %dma_start3A_424 = arith.constant 0 : i32
    %dma_start3A_425 = tpu.memref_slice %arg6[%dma_start3A_422, %dma_start3A_423, %dma_start3A_424] : memref<32x8x128xf32, #tpu.memory_space<vmem>> -> memref<1x8x128xf32, #tpu.memory_space<vmem>>
    %dma_start3A_426 = tpu.memref_squeeze %dma_start3A_425 : memref<1x8x128xf32, #tpu.memory_space<vmem>> -> memref<8x128xf32, #tpu.memory_space<vmem>>
    %dma_start3A_427 = tpu.memref_slice %arg2[%multiple_of3A_421, %multiple_of3A] : memref<100000x1024xf32, #tpu.memory_space<hbm>> -> memref<8x128xf32, #tpu.memory_space<hbm>>
    %dma_start3A_428 = arith.constant 0 : i32
    %dma_start3A_429 = arith.constant 0 : i32
    %dma_start3A_430 = tpu.memref_slice %arg6[%dma_start3A_422, %dma_start3A_428, %dma_start3A_429] : memref<32x8x128xf32, #tpu.memory_space<vmem>> -> memref<1x8x128xf32, #tpu.memory_space<vmem>>
    %dma_start3A_431 = tpu.memref_squeeze %dma_start3A_430 : memref<1x8x128xf32, #tpu.memory_space<vmem>> -> memref<8x128xf32, #tpu.memory_space<vmem>>
    %dma_start3A_432 = tpu.memref_slice %arg2[%multiple_of3A_421, %multiple_of3A] : memref<100000x1024xf32, #tpu.memory_space<hbm>> -> memref<8x128xf32, #tpu.memory_space<hbm>>
    tpu.enqueue_dma source(%dma_start3A_432 : memref<8x128xf32, #tpu.memory_space<hbm>>) target(%dma_start3A_431 : memref<8x128xf32, #tpu.memory_space<vmem>>) target_semaphore(%arg10 : memref<!tpu.dma_semaphore, #tpu.memory_space<semaphore_mem>>)
    %slice3A_433 = vector.extract_strided_slice %get3A_306 {offsets = [7], sizes = [1], strides = [1]} : vector<16xi32> to vector<1xi32>
    %squeeze3A_434 = vector.extract %slice3A_433[0] : i32 from vector<1xi32>
    %shift_right_arithmetic3A_435 = arith.constant 3 : i32
    %shift_right_arithmetic3A_436 = arith.shrsi %squeeze3A_434, %shift_right_arithmetic3A_435 : i32
    %shift_left3A_437 = arith.constant 3 : i32
    %shift_left3A_438 = arith.shli %shift_right_arithmetic3A_436, %shift_left3A_437 : i32
    %multiple_of3A_439 = tpu.assume_multiple %shift_left3A_438, 8 : i32
    %dma_start3A_440 = arith.constant 23 : i32
    %dma_start3A_441 = arith.constant 0 : i32
    %dma_start3A_442 = arith.constant 0 : i32
    %dma_start3A_443 = tpu.memref_slice %arg6[%dma_start3A_440, %dma_start3A_441, %dma_start3A_442] : memref<32x8x128xf32, #tpu.memory_space<vmem>> -> memref<1x8x128xf32, #tpu.memory_space<vmem>>
    %dma_start3A_444 = tpu.memref_squeeze %dma_start3A_443 : memref<1x8x128xf32, #tpu.memory_space<vmem>> -> memref<8x128xf32, #tpu.memory_space<vmem>>
    %dma_start3A_445 = tpu.memref_slice %arg2[%multiple_of3A_439, %multiple_of3A] : memref<100000x1024xf32, #tpu.memory_space<hbm>> -> memref<8x128xf32, #tpu.memory_space<hbm>>
    %dma_start3A_446 = arith.constant 0 : i32
    %dma_start3A_447 = arith.constant 0 : i32
    %dma_start3A_448 = tpu.memref_slice %arg6[%dma_start3A_440, %dma_start3A_446, %dma_start3A_447] : memref<32x8x128xf32, #tpu.memory_space<vmem>> -> memref<1x8x128xf32, #tpu.memory_space<vmem>>
    %dma_start3A_449 = tpu.memref_squeeze %dma_start3A_448 : memref<1x8x128xf32, #tpu.memory_space<vmem>> -> memref<8x128xf32, #tpu.memory_space<vmem>>
    %dma_start3A_450 = tpu.memref_slice %arg2[%multiple_of3A_439, %multiple_of3A] : memref<100000x1024xf32, #tpu.memory_space<hbm>> -> memref<8x128xf32, #tpu.memory_space<hbm>>
    tpu.enqueue_dma source(%dma_start3A_450 : memref<8x128xf32, #tpu.memory_space<hbm>>) target(%dma_start3A_449 : memref<8x128xf32, #tpu.memory_space<vmem>>) target_semaphore(%arg10 : memref<!tpu.dma_semaphore, #tpu.memory_space<semaphore_mem>>)
    %slice3A_451 = vector.extract_strided_slice %get3A_306 {offsets = [8], sizes = [1], strides = [1]} : vector<16xi32> to vector<1xi32>
    %squeeze3A_452 = vector.extract %slice3A_451[0] : i32 from vector<1xi32>
    %shift_right_arithmetic3A_453 = arith.constant 3 : i32
    %shift_right_arithmetic3A_454 = arith.shrsi %squeeze3A_452, %shift_right_arithmetic3A_453 : i32
    %shift_left3A_455 = arith.constant 3 : i32
    %shift_left3A_456 = arith.shli %shift_right_arithmetic3A_454, %shift_left3A_455 : i32
    %multiple_of3A_457 = tpu.assume_multiple %shift_left3A_456, 8 : i32
    %dma_start3A_458 = arith.constant 24 : i32
    %dma_start3A_459 = arith.constant 0 : i32
    %dma_start3A_460 = arith.constant 0 : i32
    %dma_start3A_461 = tpu.memref_slice %arg6[%dma_start3A_458, %dma_start3A_459, %dma_start3A_460] : memref<32x8x128xf32, #tpu.memory_space<vmem>> -> memref<1x8x128xf32, #tpu.memory_space<vmem>>
    %dma_start3A_462 = tpu.memref_squeeze %dma_start3A_461 : memref<1x8x128xf32, #tpu.memory_space<vmem>> -> memref<8x128xf32, #tpu.memory_space<vmem>>
    %dma_start3A_463 = tpu.memref_slice %arg2[%multiple_of3A_457, %multiple_of3A] : memref<100000x1024xf32, #tpu.memory_space<hbm>> -> memref<8x128xf32, #tpu.memory_space<hbm>>
    %dma_start3A_464 = arith.constant 0 : i32
    %dma_start3A_465 = arith.constant 0 : i32
    %dma_start3A_466 = tpu.memref_slice %arg6[%dma_start3A_458, %dma_start3A_464, %dma_start3A_465] : memref<32x8x128xf32, #tpu.memory_space<vmem>> -> memref<1x8x128xf32, #tpu.memory_space<vmem>>
    %dma_start3A_467 = tpu.memref_squeeze %dma_start3A_466 : memref<1x8x128xf32, #tpu.memory_space<vmem>> -> memref<8x128xf32, #tpu.memory_space<vmem>>
    %dma_start3A_468 = tpu.memref_slice %arg2[%multiple_of3A_457, %multiple_of3A] : memref<100000x1024xf32, #tpu.memory_space<hbm>> -> memref<8x128xf32, #tpu.memory_space<hbm>>
    tpu.enqueue_dma source(%dma_start3A_468 : memref<8x128xf32, #tpu.memory_space<hbm>>) target(%dma_start3A_467 : memref<8x128xf32, #tpu.memory_space<vmem>>) target_semaphore(%arg10 : memref<!tpu.dma_semaphore, #tpu.memory_space<semaphore_mem>>)
    %slice3A_469 = vector.extract_strided_slice %get3A_306 {offsets = [9], sizes = [1], strides = [1]} : vector<16xi32> to vector<1xi32>
    %squeeze3A_470 = vector.extract %slice3A_469[0] : i32 from vector<1xi32>
    %shift_right_arithmetic3A_471 = arith.constant 3 : i32
    %shift_right_arithmetic3A_472 = arith.shrsi %squeeze3A_470, %shift_right_arithmetic3A_471 : i32
    %shift_left3A_473 = arith.constant 3 : i32
    %shift_left3A_474 = arith.shli %shift_right_arithmetic3A_472, %shift_left3A_473 : i32
    %multiple_of3A_475 = tpu.assume_multiple %shift_left3A_474, 8 : i32
    %dma_start3A_476 = arith.constant 25 : i32
    %dma_start3A_477 = arith.constant 0 : i32
    %dma_start3A_478 = arith.constant 0 : i32
    %dma_start3A_479 = tpu.memref_slice %arg6[%dma_start3A_476, %dma_start3A_477, %dma_start3A_478] : memref<32x8x128xf32, #tpu.memory_space<vmem>> -> memref<1x8x128xf32, #tpu.memory_space<vmem>>
    %dma_start3A_480 = tpu.memref_squeeze %dma_start3A_479 : memref<1x8x128xf32, #tpu.memory_space<vmem>> -> memref<8x128xf32, #tpu.memory_space<vmem>>
    %dma_start3A_481 = tpu.memref_slice %arg2[%multiple_of3A_475, %multiple_of3A] : memref<100000x1024xf32, #tpu.memory_space<hbm>> -> memref<8x128xf32, #tpu.memory_space<hbm>>
    %dma_start3A_482 = arith.constant 0 : i32
    %dma_start3A_483 = arith.constant 0 : i32
    %dma_start3A_484 = tpu.memref_slice %arg6[%dma_start3A_476, %dma_start3A_482, %dma_start3A_483] : memref<32x8x128xf32, #tpu.memory_space<vmem>> -> memref<1x8x128xf32, #tpu.memory_space<vmem>>
    %dma_start3A_485 = tpu.memref_squeeze %dma_start3A_484 : memref<1x8x128xf32, #tpu.memory_space<vmem>> -> memref<8x128xf32, #tpu.memory_space<vmem>>
    %dma_start3A_486 = tpu.memref_slice %arg2[%multiple_of3A_475, %multiple_of3A] : memref<100000x1024xf32, #tpu.memory_space<hbm>> -> memref<8x128xf32, #tpu.memory_space<hbm>>
    tpu.enqueue_dma source(%dma_start3A_486 : memref<8x128xf32, #tpu.memory_space<hbm>>) target(%dma_start3A_485 : memref<8x128xf32, #tpu.memory_space<vmem>>) target_semaphore(%arg10 : memref<!tpu.dma_semaphore, #tpu.memory_space<semaphore_mem>>)
    %slice3A_487 = vector.extract_strided_slice %get3A_306 {offsets = [10], sizes = [1], strides = [1]} : vector<16xi32> to vector<1xi32>
    %squeeze3A_488 = vector.extract %slice3A_487[0] : i32 from vector<1xi32>
    %shift_right_arithmetic3A_489 = arith.constant 3 : i32
    %shift_right_arithmetic3A_490 = arith.shrsi %squeeze3A_488, %shift_right_arithmetic3A_489 : i32
    %shift_left3A_491 = arith.constant 3 : i32
    %shift_left3A_492 = arith.shli %shift_right_arithmetic3A_490, %shift_left3A_491 : i32
    %multiple_of3A_493 = tpu.assume_multiple %shift_left3A_492, 8 : i32
    %dma_start3A_494 = arith.constant 26 : i32
    %dma_start3A_495 = arith.constant 0 : i32
    %dma_start3A_496 = arith.constant 0 : i32
    %dma_start3A_497 = tpu.memref_slice %arg6[%dma_start3A_494, %dma_start3A_495, %dma_start3A_496] : memref<32x8x128xf32, #tpu.memory_space<vmem>> -> memref<1x8x128xf32, #tpu.memory_space<vmem>>
    %dma_start3A_498 = tpu.memref_squeeze %dma_start3A_497 : memref<1x8x128xf32, #tpu.memory_space<vmem>> -> memref<8x128xf32, #tpu.memory_space<vmem>>
    %dma_start3A_499 = tpu.memref_slice %arg2[%multiple_of3A_493, %multiple_of3A] : memref<100000x1024xf32, #tpu.memory_space<hbm>> -> memref<8x128xf32, #tpu.memory_space<hbm>>
    %dma_start3A_500 = arith.constant 0 : i32
    %dma_start3A_501 = arith.constant 0 : i32
    %dma_start3A_502 = tpu.memref_slice %arg6[%dma_start3A_494, %dma_start3A_500, %dma_start3A_501] : memref<32x8x128xf32, #tpu.memory_space<vmem>> -> memref<1x8x128xf32, #tpu.memory_space<vmem>>
    %dma_start3A_503 = tpu.memref_squeeze %dma_start3A_502 : memref<1x8x128xf32, #tpu.memory_space<vmem>> -> memref<8x128xf32, #tpu.memory_space<vmem>>
    %dma_start3A_504 = tpu.memref_slice %arg2[%multiple_of3A_493, %multiple_of3A] : memref<100000x1024xf32, #tpu.memory_space<hbm>> -> memref<8x128xf32, #tpu.memory_space<hbm>>
    tpu.enqueue_dma source(%dma_start3A_504 : memref<8x128xf32, #tpu.memory_space<hbm>>) target(%dma_start3A_503 : memref<8x128xf32, #tpu.memory_space<vmem>>) target_semaphore(%arg10 : memref<!tpu.dma_semaphore, #tpu.memory_space<semaphore_mem>>)
    %slice3A_505 = vector.extract_strided_slice %get3A_306 {offsets = [11], sizes = [1], strides = [1]} : vector<16xi32> to vector<1xi32>
    %squeeze3A_506 = vector.extract %slice3A_505[0] : i32 from vector<1xi32>
    %shift_right_arithmetic3A_507 = arith.constant 3 : i32
    %shift_right_arithmetic3A_508 = arith.shrsi %squeeze3A_506, %shift_right_arithmetic3A_507 : i32
    %shift_left3A_509 = arith.constant 3 : i32
    %shift_left3A_510 = arith.shli %shift_right_arithmetic3A_508, %shift_left3A_509 : i32
    %multiple_of3A_511 = tpu.assume_multiple %shift_left3A_510, 8 : i32
    %dma_start3A_512 = arith.constant 27 : i32
    %dma_start3A_513 = arith.constant 0 : i32
    %dma_start3A_514 = arith.constant 0 : i32
    %dma_start3A_515 = tpu.memref_slice %arg6[%dma_start3A_512, %dma_start3A_513, %dma_start3A_514] : memref<32x8x128xf32, #tpu.memory_space<vmem>> -> memref<1x8x128xf32, #tpu.memory_space<vmem>>
    %dma_start3A_516 = tpu.memref_squeeze %dma_start3A_515 : memref<1x8x128xf32, #tpu.memory_space<vmem>> -> memref<8x128xf32, #tpu.memory_space<vmem>>
    %dma_start3A_517 = tpu.memref_slice %arg2[%multiple_of3A_511, %multiple_of3A] : memref<100000x1024xf32, #tpu.memory_space<hbm>> -> memref<8x128xf32, #tpu.memory_space<hbm>>
    %dma_start3A_518 = arith.constant 0 : i32
    %dma_start3A_519 = arith.constant 0 : i32
    %dma_start3A_520 = tpu.memref_slice %arg6[%dma_start3A_512, %dma_start3A_518, %dma_start3A_519] : memref<32x8x128xf32, #tpu.memory_space<vmem>> -> memref<1x8x128xf32, #tpu.memory_space<vmem>>
    %dma_start3A_521 = tpu.memref_squeeze %dma_start3A_520 : memref<1x8x128xf32, #tpu.memory_space<vmem>> -> memref<8x128xf32, #tpu.memory_space<vmem>>
    %dma_start3A_522 = tpu.memref_slice %arg2[%multiple_of3A_511, %multiple_of3A] : memref<100000x1024xf32, #tpu.memory_space<hbm>> -> memref<8x128xf32, #tpu.memory_space<hbm>>
    tpu.enqueue_dma source(%dma_start3A_522 : memref<8x128xf32, #tpu.memory_space<hbm>>) target(%dma_start3A_521 : memref<8x128xf32, #tpu.memory_space<vmem>>) target_semaphore(%arg10 : memref<!tpu.dma_semaphore, #tpu.memory_space<semaphore_mem>>)
    %slice3A_523 = vector.extract_strided_slice %get3A_306 {offsets = [12], sizes = [1], strides = [1]} : vector<16xi32> to vector<1xi32>
    %squeeze3A_524 = vector.extract %slice3A_523[0] : i32 from vector<1xi32>
    %shift_right_arithmetic3A_525 = arith.constant 3 : i32
    %shift_right_arithmetic3A_526 = arith.shrsi %squeeze3A_524, %shift_right_arithmetic3A_525 : i32
    %shift_left3A_527 = arith.constant 3 : i32
    %shift_left3A_528 = arith.shli %shift_right_arithmetic3A_526, %shift_left3A_527 : i32
    %multiple_of3A_529 = tpu.assume_multiple %shift_left3A_528, 8 : i32
    %dma_start3A_530 = arith.constant 28 : i32
    %dma_start3A_531 = arith.constant 0 : i32
    %dma_start3A_532 = arith.constant 0 : i32
    %dma_start3A_533 = tpu.memref_slice %arg6[%dma_start3A_530, %dma_start3A_531, %dma_start3A_532] : memref<32x8x128xf32, #tpu.memory_space<vmem>> -> memref<1x8x128xf32, #tpu.memory_space<vmem>>
    %dma_start3A_534 = tpu.memref_squeeze %dma_start3A_533 : memref<1x8x128xf32, #tpu.memory_space<vmem>> -> memref<8x128xf32, #tpu.memory_space<vmem>>
    %dma_start3A_535 = tpu.memref_slice %arg2[%multiple_of3A_529, %multiple_of3A] : memref<100000x1024xf32, #tpu.memory_space<hbm>> -> memref<8x128xf32, #tpu.memory_space<hbm>>
    %dma_start3A_536 = arith.constant 0 : i32
    %dma_start3A_537 = arith.constant 0 : i32
    %dma_start3A_538 = tpu.memref_slice %arg6[%dma_start3A_530, %dma_start3A_536, %dma_start3A_537] : memref<32x8x128xf32, #tpu.memory_space<vmem>> -> memref<1x8x128xf32, #tpu.memory_space<vmem>>
    %dma_start3A_539 = tpu.memref_squeeze %dma_start3A_538 : memref<1x8x128xf32, #tpu.memory_space<vmem>> -> memref<8x128xf32, #tpu.memory_space<vmem>>
    %dma_start3A_540 = tpu.memref_slice %arg2[%multiple_of3A_529, %multiple_of3A] : memref<100000x1024xf32, #tpu.memory_space<hbm>> -> memref<8x128xf32, #tpu.memory_space<hbm>>
    tpu.enqueue_dma source(%dma_start3A_540 : memref<8x128xf32, #tpu.memory_space<hbm>>) target(%dma_start3A_539 : memref<8x128xf32, #tpu.memory_space<vmem>>) target_semaphore(%arg10 : memref<!tpu.dma_semaphore, #tpu.memory_space<semaphore_mem>>)
    %slice3A_541 = vector.extract_strided_slice %get3A_306 {offsets = [13], sizes = [1], strides = [1]} : vector<16xi32> to vector<1xi32>
    %squeeze3A_542 = vector.extract %slice3A_541[0] : i32 from vector<1xi32>
    %shift_right_arithmetic3A_543 = arith.constant 3 : i32
    %shift_right_arithmetic3A_544 = arith.shrsi %squeeze3A_542, %shift_right_arithmetic3A_543 : i32
    %shift_left3A_545 = arith.constant 3 : i32
    %shift_left3A_546 = arith.shli %shift_right_arithmetic3A_544, %shift_left3A_545 : i32
    %multiple_of3A_547 = tpu.assume_multiple %shift_left3A_546, 8 : i32
    %dma_start3A_548 = arith.constant 29 : i32
    %dma_start3A_549 = arith.constant 0 : i32
    %dma_start3A_550 = arith.constant 0 : i32
    %dma_start3A_551 = tpu.memref_slice %arg6[%dma_start3A_548, %dma_start3A_549, %dma_start3A_550] : memref<32x8x128xf32, #tpu.memory_space<vmem>> -> memref<1x8x128xf32, #tpu.memory_space<vmem>>
    %dma_start3A_552 = tpu.memref_squeeze %dma_start3A_551 : memref<1x8x128xf32, #tpu.memory_space<vmem>> -> memref<8x128xf32, #tpu.memory_space<vmem>>
    %dma_start3A_553 = tpu.memref_slice %arg2[%multiple_of3A_547, %multiple_of3A] : memref<100000x1024xf32, #tpu.memory_space<hbm>> -> memref<8x128xf32, #tpu.memory_space<hbm>>
    %dma_start3A_554 = arith.constant 0 : i32
    %dma_start3A_555 = arith.constant 0 : i32
    %dma_start3A_556 = tpu.memref_slice %arg6[%dma_start3A_548, %dma_start3A_554, %dma_start3A_555] : memref<32x8x128xf32, #tpu.memory_space<vmem>> -> memref<1x8x128xf32, #tpu.memory_space<vmem>>
    %dma_start3A_557 = tpu.memref_squeeze %dma_start3A_556 : memref<1x8x128xf32, #tpu.memory_space<vmem>> -> memref<8x128xf32, #tpu.memory_space<vmem>>
    %dma_start3A_558 = tpu.memref_slice %arg2[%multiple_of3A_547, %multiple_of3A] : memref<100000x1024xf32, #tpu.memory_space<hbm>> -> memref<8x128xf32, #tpu.memory_space<hbm>>
    tpu.enqueue_dma source(%dma_start3A_558 : memref<8x128xf32, #tpu.memory_space<hbm>>) target(%dma_start3A_557 : memref<8x128xf32, #tpu.memory_space<vmem>>) target_semaphore(%arg10 : memref<!tpu.dma_semaphore, #tpu.memory_space<semaphore_mem>>)
    %slice3A_559 = vector.extract_strided_slice %get3A_306 {offsets = [14], sizes = [1], strides = [1]} : vector<16xi32> to vector<1xi32>
    %squeeze3A_560 = vector.extract %slice3A_559[0] : i32 from vector<1xi32>
    %shift_right_arithmetic3A_561 = arith.constant 3 : i32
    %shift_right_arithmetic3A_562 = arith.shrsi %squeeze3A_560, %shift_right_arithmetic3A_561 : i32
    %shift_left3A_563 = arith.constant 3 : i32
    %shift_left3A_564 = arith.shli %shift_right_arithmetic3A_562, %shift_left3A_563 : i32
    %multiple_of3A_565 = tpu.assume_multiple %shift_left3A_564, 8 : i32
    %dma_start3A_566 = arith.constant 30 : i32
    %dma_start3A_567 = arith.constant 0 : i32
    %dma_start3A_568 = arith.constant 0 : i32
    %dma_start3A_569 = tpu.memref_slice %arg6[%dma_start3A_566, %dma_start3A_567, %dma_start3A_568] : memref<32x8x128xf32, #tpu.memory_space<vmem>> -> memref<1x8x128xf32, #tpu.memory_space<vmem>>
    %dma_start3A_570 = tpu.memref_squeeze %dma_start3A_569 : memref<1x8x128xf32, #tpu.memory_space<vmem>> -> memref<8x128xf32, #tpu.memory_space<vmem>>
    %dma_start3A_571 = tpu.memref_slice %arg2[%multiple_of3A_565, %multiple_of3A] : memref<100000x1024xf32, #tpu.memory_space<hbm>> -> memref<8x128xf32, #tpu.memory_space<hbm>>
    %dma_start3A_572 = arith.constant 0 : i32
    %dma_start3A_573 = arith.constant 0 : i32
    %dma_start3A_574 = tpu.memref_slice %arg6[%dma_start3A_566, %dma_start3A_572, %dma_start3A_573] : memref<32x8x128xf32, #tpu.memory_space<vmem>> -> memref<1x8x128xf32, #tpu.memory_space<vmem>>
    %dma_start3A_575 = tpu.memref_squeeze %dma_start3A_574 : memref<1x8x128xf32, #tpu.memory_space<vmem>> -> memref<8x128xf32, #tpu.memory_space<vmem>>
    %dma_start3A_576 = tpu.memref_slice %arg2[%multiple_of3A_565, %multiple_of3A] : memref<100000x1024xf32, #tpu.memory_space<hbm>> -> memref<8x128xf32, #tpu.memory_space<hbm>>
    tpu.enqueue_dma source(%dma_start3A_576 : memref<8x128xf32, #tpu.memory_space<hbm>>) target(%dma_start3A_575 : memref<8x128xf32, #tpu.memory_space<vmem>>) target_semaphore(%arg10 : memref<!tpu.dma_semaphore, #tpu.memory_space<semaphore_mem>>)
    %slice3A_577 = vector.extract_strided_slice %get3A_306 {offsets = [15], sizes = [1], strides = [1]} : vector<16xi32> to vector<1xi32>
    %squeeze3A_578 = vector.extract %slice3A_577[0] : i32 from vector<1xi32>
    %shift_right_arithmetic3A_579 = arith.constant 3 : i32
    %shift_right_arithmetic3A_580 = arith.shrsi %squeeze3A_578, %shift_right_arithmetic3A_579 : i32
    %shift_left3A_581 = arith.constant 3 : i32
    %shift_left3A_582 = arith.shli %shift_right_arithmetic3A_580, %shift_left3A_581 : i32
    %multiple_of3A_583 = tpu.assume_multiple %shift_left3A_582, 8 : i32
    %dma_start3A_584 = arith.constant 31 : i32
    %dma_start3A_585 = arith.constant 0 : i32
    %dma_start3A_586 = arith.constant 0 : i32
    %dma_start3A_587 = tpu.memref_slice %arg6[%dma_start3A_584, %dma_start3A_585, %dma_start3A_586] : memref<32x8x128xf32, #tpu.memory_space<vmem>> -> memref<1x8x128xf32, #tpu.memory_space<vmem>>
    %dma_start3A_588 = tpu.memref_squeeze %dma_start3A_587 : memref<1x8x128xf32, #tpu.memory_space<vmem>> -> memref<8x128xf32, #tpu.memory_space<vmem>>
    %dma_start3A_589 = tpu.memref_slice %arg2[%multiple_of3A_583, %multiple_of3A] : memref<100000x1024xf32, #tpu.memory_space<hbm>> -> memref<8x128xf32, #tpu.memory_space<hbm>>
    %dma_start3A_590 = arith.constant 0 : i32
    %dma_start3A_591 = arith.constant 0 : i32
    %dma_start3A_592 = tpu.memref_slice %arg6[%dma_start3A_584, %dma_start3A_590, %dma_start3A_591] : memref<32x8x128xf32, #tpu.memory_space<vmem>> -> memref<1x8x128xf32, #tpu.memory_space<vmem>>
    %dma_start3A_593 = tpu.memref_squeeze %dma_start3A_592 : memref<1x8x128xf32, #tpu.memory_space<vmem>> -> memref<8x128xf32, #tpu.memory_space<vmem>>
    %dma_start3A_594 = tpu.memref_slice %arg2[%multiple_of3A_583, %multiple_of3A] : memref<100000x1024xf32, #tpu.memory_space<hbm>> -> memref<8x128xf32, #tpu.memory_space<hbm>>
    tpu.enqueue_dma source(%dma_start3A_594 : memref<8x128xf32, #tpu.memory_space<hbm>>) target(%dma_start3A_593 : memref<8x128xf32, #tpu.memory_space<vmem>>) target_semaphore(%arg10 : memref<!tpu.dma_semaphore, #tpu.memory_space<semaphore_mem>>)
    %dma_wait3A = arith.constant 0 : i32
    %dma_wait3A_595 = arith.constant 0 : i32
    %dma_wait3A_596 = arith.constant 0 : i32
    %dma_wait3A_597 = tpu.memref_slice %arg6[%dma_wait3A, %dma_wait3A_595, %dma_wait3A_596] : memref<32x8x128xf32, #tpu.memory_space<vmem>> -> memref<1x8x128xf32, #tpu.memory_space<vmem>>
    %dma_wait3A_598 = tpu.memref_squeeze %dma_wait3A_597 : memref<1x8x128xf32, #tpu.memory_space<vmem>> -> memref<8x128xf32, #tpu.memory_space<vmem>>
    %dma_wait3A_599 = tpu.memref_slice %arg2[%multiple_of3A_24, %multiple_of3A] : memref<100000x1024xf32, #tpu.memory_space<hbm>> -> memref<8x128xf32, #tpu.memory_space<hbm>>
    %dma_wait3A_600 = arith.constant 0 : i32
    %dma_wait3A_601 = arith.constant 0 : i32
    %dma_wait3A_602 = tpu.memref_slice %arg6[%dma_wait3A, %dma_wait3A_600, %dma_wait3A_601] : memref<32x8x128xf32, #tpu.memory_space<vmem>> -> memref<1x8x128xf32, #tpu.memory_space<vmem>>
    %dma_wait3A_603 = tpu.memref_squeeze %dma_wait3A_602 : memref<1x8x128xf32, #tpu.memory_space<vmem>> -> memref<8x128xf32, #tpu.memory_space<vmem>>
    %dma_wait3A_604 = tpu.memref_slice %arg2[%multiple_of3A_24, %multiple_of3A] : memref<100000x1024xf32, #tpu.memory_space<hbm>> -> memref<8x128xf32, #tpu.memory_space<hbm>>
    tpu.wait_dma2 semaphore(%arg10 : memref<!tpu.dma_semaphore, #tpu.memory_space<semaphore_mem>>) src(%dma_wait3A_604 : memref<8x128xf32, #tpu.memory_space<hbm>>) dst(%dma_wait3A_603 : memref<8x128xf32, #tpu.memory_space<vmem>>)
    %dma_wait3A_605 = arith.constant 1 : i32
    %dma_wait3A_606 = arith.constant 0 : i32
    %dma_wait3A_607 = arith.constant 0 : i32
    %dma_wait3A_608 = tpu.memref_slice %arg6[%dma_wait3A_605, %dma_wait3A_606, %dma_wait3A_607] : memref<32x8x128xf32, #tpu.memory_space<vmem>> -> memref<1x8x128xf32, #tpu.memory_space<vmem>>
    %dma_wait3A_609 = tpu.memref_squeeze %dma_wait3A_608 : memref<1x8x128xf32, #tpu.memory_space<vmem>> -> memref<8x128xf32, #tpu.memory_space<vmem>>
    %dma_wait3A_610 = tpu.memref_slice %arg2[%multiple_of3A_41, %multiple_of3A] : memref<100000x1024xf32, #tpu.memory_space<hbm>> -> memref<8x128xf32, #tpu.memory_space<hbm>>
    %dma_wait3A_611 = arith.constant 0 : i32
    %dma_wait3A_612 = arith.constant 0 : i32
    %dma_wait3A_613 = tpu.memref_slice %arg6[%dma_wait3A_605, %dma_wait3A_611, %dma_wait3A_612] : memref<32x8x128xf32, #tpu.memory_space<vmem>> -> memref<1x8x128xf32, #tpu.memory_space<vmem>>
    %dma_wait3A_614 = tpu.memref_squeeze %dma_wait3A_613 : memref<1x8x128xf32, #tpu.memory_space<vmem>> -> memref<8x128xf32, #tpu.memory_space<vmem>>
    %dma_wait3A_615 = tpu.memref_slice %arg2[%multiple_of3A_41, %multiple_of3A] : memref<100000x1024xf32, #tpu.memory_space<hbm>> -> memref<8x128xf32, #tpu.memory_space<hbm>>
    tpu.wait_dma2 semaphore(%arg10 : memref<!tpu.dma_semaphore, #tpu.memory_space<semaphore_mem>>) src(%dma_wait3A_615 : memref<8x128xf32, #tpu.memory_space<hbm>>) dst(%dma_wait3A_614 : memref<8x128xf32, #tpu.memory_space<vmem>>)
    %dma_wait3A_616 = arith.constant 2 : i32
    %dma_wait3A_617 = arith.constant 0 : i32
    %dma_wait3A_618 = arith.constant 0 : i32
    %dma_wait3A_619 = tpu.memref_slice %arg6[%dma_wait3A_616, %dma_wait3A_617, %dma_wait3A_618] : memref<32x8x128xf32, #tpu.memory_space<vmem>> -> memref<1x8x128xf32, #tpu.memory_space<vmem>>
    %dma_wait3A_620 = tpu.memref_squeeze %dma_wait3A_619 : memref<1x8x128xf32, #tpu.memory_space<vmem>> -> memref<8x128xf32, #tpu.memory_space<vmem>>
    %dma_wait3A_621 = tpu.memref_slice %arg2[%multiple_of3A_59, %multiple_of3A] : memref<100000x1024xf32, #tpu.memory_space<hbm>> -> memref<8x128xf32, #tpu.memory_space<hbm>>
    %dma_wait3A_622 = arith.constant 0 : i32
    %dma_wait3A_623 = arith.constant 0 : i32
    %dma_wait3A_624 = tpu.memref_slice %arg6[%dma_wait3A_616, %dma_wait3A_622, %dma_wait3A_623] : memref<32x8x128xf32, #tpu.memory_space<vmem>> -> memref<1x8x128xf32, #tpu.memory_space<vmem>>
    %dma_wait3A_625 = tpu.memref_squeeze %dma_wait3A_624 : memref<1x8x128xf32, #tpu.memory_space<vmem>> -> memref<8x128xf32, #tpu.memory_space<vmem>>
    %dma_wait3A_626 = tpu.memref_slice %arg2[%multiple_of3A_59, %multiple_of3A] : memref<100000x1024xf32, #tpu.memory_space<hbm>> -> memref<8x128xf32, #tpu.memory_space<hbm>>
    tpu.wait_dma2 semaphore(%arg10 : memref<!tpu.dma_semaphore, #tpu.memory_space<semaphore_mem>>) src(%dma_wait3A_626 : memref<8x128xf32, #tpu.memory_space<hbm>>) dst(%dma_wait3A_625 : memref<8x128xf32, #tpu.memory_space<vmem>>)
    %dma_wait3A_627 = arith.constant 3 : i32
    %dma_wait3A_628 = arith.constant 0 : i32
    %dma_wait3A_629 = arith.constant 0 : i32
    %dma_wait3A_630 = tpu.memref_slice %arg6[%dma_wait3A_627, %dma_wait3A_628, %dma_wait3A_629] : memref<32x8x128xf32, #tpu.memory_space<vmem>> -> memref<1x8x128xf32, #tpu.memory_space<vmem>>
    %dma_wait3A_631 = tpu.memref_squeeze %dma_wait3A_630 : memref<1x8x128xf32, #tpu.memory_space<vmem>> -> memref<8x128xf32, #tpu.memory_space<vmem>>
    %dma_wait3A_632 = tpu.memref_slice %arg2[%multiple_of3A_77, %multiple_of3A] : memref<100000x1024xf32, #tpu.memory_space<hbm>> -> memref<8x128xf32, #tpu.memory_space<hbm>>
    %dma_wait3A_633 = arith.constant 0 : i32
    %dma_wait3A_634 = arith.constant 0 : i32
    %dma_wait3A_635 = tpu.memref_slice %arg6[%dma_wait3A_627, %dma_wait3A_633, %dma_wait3A_634] : memref<32x8x128xf32, #tpu.memory_space<vmem>> -> memref<1x8x128xf32, #tpu.memory_space<vmem>>
    %dma_wait3A_636 = tpu.memref_squeeze %dma_wait3A_635 : memref<1x8x128xf32, #tpu.memory_space<vmem>> -> memref<8x128xf32, #tpu.memory_space<vmem>>
    %dma_wait3A_637 = tpu.memref_slice %arg2[%multiple_of3A_77, %multiple_of3A] : memref<100000x1024xf32, #tpu.memory_space<hbm>> -> memref<8x128xf32, #tpu.memory_space<hbm>>
    tpu.wait_dma2 semaphore(%arg10 : memref<!tpu.dma_semaphore, #tpu.memory_space<semaphore_mem>>) src(%dma_wait3A_637 : memref<8x128xf32, #tpu.memory_space<hbm>>) dst(%dma_wait3A_636 : memref<8x128xf32, #tpu.memory_space<vmem>>)
    %dma_wait3A_638 = arith.constant 4 : i32
    %dma_wait3A_639 = arith.constant 0 : i32
    %dma_wait3A_640 = arith.constant 0 : i32
    %dma_wait3A_641 = tpu.memref_slice %arg6[%dma_wait3A_638, %dma_wait3A_639, %dma_wait3A_640] : memref<32x8x128xf32, #tpu.memory_space<vmem>> -> memref<1x8x128xf32, #tpu.memory_space<vmem>>
    %dma_wait3A_642 = tpu.memref_squeeze %dma_wait3A_641 : memref<1x8x128xf32, #tpu.memory_space<vmem>> -> memref<8x128xf32, #tpu.memory_space<vmem>>
    %dma_wait3A_643 = tpu.memref_slice %arg2[%multiple_of3A_95, %multiple_of3A] : memref<100000x1024xf32, #tpu.memory_space<hbm>> -> memref<8x128xf32, #tpu.memory_space<hbm>>
    %dma_wait3A_644 = arith.constant 0 : i32
    %dma_wait3A_645 = arith.constant 0 : i32
    %dma_wait3A_646 = tpu.memref_slice %arg6[%dma_wait3A_638, %dma_wait3A_644, %dma_wait3A_645] : memref<32x8x128xf32, #tpu.memory_space<vmem>> -> memref<1x8x128xf32, #tpu.memory_space<vmem>>
    %dma_wait3A_647 = tpu.memref_squeeze %dma_wait3A_646 : memref<1x8x128xf32, #tpu.memory_space<vmem>> -> memref<8x128xf32, #tpu.memory_space<vmem>>
    %dma_wait3A_648 = tpu.memref_slice %arg2[%multiple_of3A_95, %multiple_of3A] : memref<100000x1024xf32, #tpu.memory_space<hbm>> -> memref<8x128xf32, #tpu.memory_space<hbm>>
    tpu.wait_dma2 semaphore(%arg10 : memref<!tpu.dma_semaphore, #tpu.memory_space<semaphore_mem>>) src(%dma_wait3A_648 : memref<8x128xf32, #tpu.memory_space<hbm>>) dst(%dma_wait3A_647 : memref<8x128xf32, #tpu.memory_space<vmem>>)
    %dma_wait3A_649 = arith.constant 5 : i32
    %dma_wait3A_650 = arith.constant 0 : i32
    %dma_wait3A_651 = arith.constant 0 : i32
    %dma_wait3A_652 = tpu.memref_slice %arg6[%dma_wait3A_649, %dma_wait3A_650, %dma_wait3A_651] : memref<32x8x128xf32, #tpu.memory_space<vmem>> -> memref<1x8x128xf32, #tpu.memory_space<vmem>>
    %dma_wait3A_653 = tpu.memref_squeeze %dma_wait3A_652 : memref<1x8x128xf32, #tpu.memory_space<vmem>> -> memref<8x128xf32, #tpu.memory_space<vmem>>
    %dma_wait3A_654 = tpu.memref_slice %arg2[%multiple_of3A_113, %multiple_of3A] : memref<100000x1024xf32, #tpu.memory_space<hbm>> -> memref<8x128xf32, #tpu.memory_space<hbm>>
    %dma_wait3A_655 = arith.constant 0 : i32
    %dma_wait3A_656 = arith.constant 0 : i32
    %dma_wait3A_657 = tpu.memref_slice %arg6[%dma_wait3A_649, %dma_wait3A_655, %dma_wait3A_656] : memref<32x8x128xf32, #tpu.memory_space<vmem>> -> memref<1x8x128xf32, #tpu.memory_space<vmem>>
    %dma_wait3A_658 = tpu.memref_squeeze %dma_wait3A_657 : memref<1x8x128xf32, #tpu.memory_space<vmem>> -> memref<8x128xf32, #tpu.memory_space<vmem>>
    %dma_wait3A_659 = tpu.memref_slice %arg2[%multiple_of3A_113, %multiple_of3A] : memref<100000x1024xf32, #tpu.memory_space<hbm>> -> memref<8x128xf32, #tpu.memory_space<hbm>>
    tpu.wait_dma2 semaphore(%arg10 : memref<!tpu.dma_semaphore, #tpu.memory_space<semaphore_mem>>) src(%dma_wait3A_659 : memref<8x128xf32, #tpu.memory_space<hbm>>) dst(%dma_wait3A_658 : memref<8x128xf32, #tpu.memory_space<vmem>>)
    %dma_wait3A_660 = arith.constant 6 : i32
    %dma_wait3A_661 = arith.constant 0 : i32
    %dma_wait3A_662 = arith.constant 0 : i32
    %dma_wait3A_663 = tpu.memref_slice %arg6[%dma_wait3A_660, %dma_wait3A_661, %dma_wait3A_662] : memref<32x8x128xf32, #tpu.memory_space<vmem>> -> memref<1x8x128xf32, #tpu.memory_space<vmem>>
    %dma_wait3A_664 = tpu.memref_squeeze %dma_wait3A_663 : memref<1x8x128xf32, #tpu.memory_space<vmem>> -> memref<8x128xf32, #tpu.memory_space<vmem>>
    %dma_wait3A_665 = tpu.memref_slice %arg2[%multiple_of3A_131, %multiple_of3A] : memref<100000x1024xf32, #tpu.memory_space<hbm>> -> memref<8x128xf32, #tpu.memory_space<hbm>>
    %dma_wait3A_666 = arith.constant 0 : i32
    %dma_wait3A_667 = arith.constant 0 : i32
    %dma_wait3A_668 = tpu.memref_slice %arg6[%dma_wait3A_660, %dma_wait3A_666, %dma_wait3A_667] : memref<32x8x128xf32, #tpu.memory_space<vmem>> -> memref<1x8x128xf32, #tpu.memory_space<vmem>>
    %dma_wait3A_669 = tpu.memref_squeeze %dma_wait3A_668 : memref<1x8x128xf32, #tpu.memory_space<vmem>> -> memref<8x128xf32, #tpu.memory_space<vmem>>
    %dma_wait3A_670 = tpu.memref_slice %arg2[%multiple_of3A_131, %multiple_of3A] : memref<100000x1024xf32, #tpu.memory_space<hbm>> -> memref<8x128xf32, #tpu.memory_space<hbm>>
    tpu.wait_dma2 semaphore(%arg10 : memref<!tpu.dma_semaphore, #tpu.memory_space<semaphore_mem>>) src(%dma_wait3A_670 : memref<8x128xf32, #tpu.memory_space<hbm>>) dst(%dma_wait3A_669 : memref<8x128xf32, #tpu.memory_space<vmem>>)
    %dma_wait3A_671 = arith.constant 7 : i32
    %dma_wait3A_672 = arith.constant 0 : i32
    %dma_wait3A_673 = arith.constant 0 : i32
    %dma_wait3A_674 = tpu.memref_slice %arg6[%dma_wait3A_671, %dma_wait3A_672, %dma_wait3A_673] : memref<32x8x128xf32, #tpu.memory_space<vmem>> -> memref<1x8x128xf32, #tpu.memory_space<vmem>>
    %dma_wait3A_675 = tpu.memref_squeeze %dma_wait3A_674 : memref<1x8x128xf32, #tpu.memory_space<vmem>> -> memref<8x128xf32, #tpu.memory_space<vmem>>
    %dma_wait3A_676 = tpu.memref_slice %arg2[%multiple_of3A_149, %multiple_of3A] : memref<100000x1024xf32, #tpu.memory_space<hbm>> -> memref<8x128xf32, #tpu.memory_space<hbm>>
    %dma_wait3A_677 = arith.constant 0 : i32
    %dma_wait3A_678 = arith.constant 0 : i32
    %dma_wait3A_679 = tpu.memref_slice %arg6[%dma_wait3A_671, %dma_wait3A_677, %dma_wait3A_678] : memref<32x8x128xf32, #tpu.memory_space<vmem>> -> memref<1x8x128xf32, #tpu.memory_space<vmem>>
    %dma_wait3A_680 = tpu.memref_squeeze %dma_wait3A_679 : memref<1x8x128xf32, #tpu.memory_space<vmem>> -> memref<8x128xf32, #tpu.memory_space<vmem>>
    %dma_wait3A_681 = tpu.memref_slice %arg2[%multiple_of3A_149, %multiple_of3A] : memref<100000x1024xf32, #tpu.memory_space<hbm>> -> memref<8x128xf32, #tpu.memory_space<hbm>>
    tpu.wait_dma2 semaphore(%arg10 : memref<!tpu.dma_semaphore, #tpu.memory_space<semaphore_mem>>) src(%dma_wait3A_681 : memref<8x128xf32, #tpu.memory_space<hbm>>) dst(%dma_wait3A_680 : memref<8x128xf32, #tpu.memory_space<vmem>>)
    %dma_wait3A_682 = arith.constant 8 : i32
    %dma_wait3A_683 = arith.constant 0 : i32
    %dma_wait3A_684 = arith.constant 0 : i32
    %dma_wait3A_685 = tpu.memref_slice %arg6[%dma_wait3A_682, %dma_wait3A_683, %dma_wait3A_684] : memref<32x8x128xf32, #tpu.memory_space<vmem>> -> memref<1x8x128xf32, #tpu.memory_space<vmem>>
    %dma_wait3A_686 = tpu.memref_squeeze %dma_wait3A_685 : memref<1x8x128xf32, #tpu.memory_space<vmem>> -> memref<8x128xf32, #tpu.memory_space<vmem>>
    %dma_wait3A_687 = tpu.memref_slice %arg2[%multiple_of3A_167, %multiple_of3A] : memref<100000x1024xf32, #tpu.memory_space<hbm>> -> memref<8x128xf32, #tpu.memory_space<hbm>>
    %dma_wait3A_688 = arith.constant 0 : i32
    %dma_wait3A_689 = arith.constant 0 : i32
    %dma_wait3A_690 = tpu.memref_slice %arg6[%dma_wait3A_682, %dma_wait3A_688, %dma_wait3A_689] : memref<32x8x128xf32, #tpu.memory_space<vmem>> -> memref<1x8x128xf32, #tpu.memory_space<vmem>>
    %dma_wait3A_691 = tpu.memref_squeeze %dma_wait3A_690 : memref<1x8x128xf32, #tpu.memory_space<vmem>> -> memref<8x128xf32, #tpu.memory_space<vmem>>
    %dma_wait3A_692 = tpu.memref_slice %arg2[%multiple_of3A_167, %multiple_of3A] : memref<100000x1024xf32, #tpu.memory_space<hbm>> -> memref<8x128xf32, #tpu.memory_space<hbm>>
    tpu.wait_dma2 semaphore(%arg10 : memref<!tpu.dma_semaphore, #tpu.memory_space<semaphore_mem>>) src(%dma_wait3A_692 : memref<8x128xf32, #tpu.memory_space<hbm>>) dst(%dma_wait3A_691 : memref<8x128xf32, #tpu.memory_space<vmem>>)
    %dma_wait3A_693 = arith.constant 9 : i32
    %dma_wait3A_694 = arith.constant 0 : i32
    %dma_wait3A_695 = arith.constant 0 : i32
    %dma_wait3A_696 = tpu.memref_slice %arg6[%dma_wait3A_693, %dma_wait3A_694, %dma_wait3A_695] : memref<32x8x128xf32, #tpu.memory_space<vmem>> -> memref<1x8x128xf32, #tpu.memory_space<vmem>>
    %dma_wait3A_697 = tpu.memref_squeeze %dma_wait3A_696 : memref<1x8x128xf32, #tpu.memory_space<vmem>> -> memref<8x128xf32, #tpu.memory_space<vmem>>
    %dma_wait3A_698 = tpu.memref_slice %arg2[%multiple_of3A_185, %multiple_of3A] : memref<100000x1024xf32, #tpu.memory_space<hbm>> -> memref<8x128xf32, #tpu.memory_space<hbm>>
    %dma_wait3A_699 = arith.constant 0 : i32
    %dma_wait3A_700 = arith.constant 0 : i32
    %dma_wait3A_701 = tpu.memref_slice %arg6[%dma_wait3A_693, %dma_wait3A_699, %dma_wait3A_700] : memref<32x8x128xf32, #tpu.memory_space<vmem>> -> memref<1x8x128xf32, #tpu.memory_space<vmem>>
    %dma_wait3A_702 = tpu.memref_squeeze %dma_wait3A_701 : memref<1x8x128xf32, #tpu.memory_space<vmem>> -> memref<8x128xf32, #tpu.memory_space<vmem>>
    %dma_wait3A_703 = tpu.memref_slice %arg2[%multiple_of3A_185, %multiple_of3A] : memref<100000x1024xf32, #tpu.memory_space<hbm>> -> memref<8x128xf32, #tpu.memory_space<hbm>>
    tpu.wait_dma2 semaphore(%arg10 : memref<!tpu.dma_semaphore, #tpu.memory_space<semaphore_mem>>) src(%dma_wait3A_703 : memref<8x128xf32, #tpu.memory_space<hbm>>) dst(%dma_wait3A_702 : memref<8x128xf32, #tpu.memory_space<vmem>>)
    %dma_wait3A_704 = arith.constant 10 : i32
    %dma_wait3A_705 = arith.constant 0 : i32
    %dma_wait3A_706 = arith.constant 0 : i32
    %dma_wait3A_707 = tpu.memref_slice %arg6[%dma_wait3A_704, %dma_wait3A_705, %dma_wait3A_706] : memref<32x8x128xf32, #tpu.memory_space<vmem>> -> memref<1x8x128xf32, #tpu.memory_space<vmem>>
    %dma_wait3A_708 = tpu.memref_squeeze %dma_wait3A_707 : memref<1x8x128xf32, #tpu.memory_space<vmem>> -> memref<8x128xf32, #tpu.memory_space<vmem>>
    %dma_wait3A_709 = tpu.memref_slice %arg2[%multiple_of3A_203, %multiple_of3A] : memref<100000x1024xf32, #tpu.memory_space<hbm>> -> memref<8x128xf32, #tpu.memory_space<hbm>>
    %dma_wait3A_710 = arith.constant 0 : i32
    %dma_wait3A_711 = arith.constant 0 : i32
    %dma_wait3A_712 = tpu.memref_slice %arg6[%dma_wait3A_704, %dma_wait3A_710, %dma_wait3A_711] : memref<32x8x128xf32, #tpu.memory_space<vmem>> -> memref<1x8x128xf32, #tpu.memory_space<vmem>>
    %dma_wait3A_713 = tpu.memref_squeeze %dma_wait3A_712 : memref<1x8x128xf32, #tpu.memory_space<vmem>> -> memref<8x128xf32, #tpu.memory_space<vmem>>
    %dma_wait3A_714 = tpu.memref_slice %arg2[%multiple_of3A_203, %multiple_of3A] : memref<100000x1024xf32, #tpu.memory_space<hbm>> -> memref<8x128xf32, #tpu.memory_space<hbm>>
    tpu.wait_dma2 semaphore(%arg10 : memref<!tpu.dma_semaphore, #tpu.memory_space<semaphore_mem>>) src(%dma_wait3A_714 : memref<8x128xf32, #tpu.memory_space<hbm>>) dst(%dma_wait3A_713 : memref<8x128xf32, #tpu.memory_space<vmem>>)
    %dma_wait3A_715 = arith.constant 11 : i32
    %dma_wait3A_716 = arith.constant 0 : i32
    %dma_wait3A_717 = arith.constant 0 : i32
    %dma_wait3A_718 = tpu.memref_slice %arg6[%dma_wait3A_715, %dma_wait3A_716, %dma_wait3A_717] : memref<32x8x128xf32, #tpu.memory_space<vmem>> -> memref<1x8x128xf32, #tpu.memory_space<vmem>>
    %dma_wait3A_719 = tpu.memref_squeeze %dma_wait3A_718 : memref<1x8x128xf32, #tpu.memory_space<vmem>> -> memref<8x128xf32, #tpu.memory_space<vmem>>
    %dma_wait3A_720 = tpu.memref_slice %arg2[%multiple_of3A_221, %multiple_of3A] : memref<100000x1024xf32, #tpu.memory_space<hbm>> -> memref<8x128xf32, #tpu.memory_space<hbm>>
    %dma_wait3A_721 = arith.constant 0 : i32
    %dma_wait3A_722 = arith.constant 0 : i32
    %dma_wait3A_723 = tpu.memref_slice %arg6[%dma_wait3A_715, %dma_wait3A_721, %dma_wait3A_722] : memref<32x8x128xf32, #tpu.memory_space<vmem>> -> memref<1x8x128xf32, #tpu.memory_space<vmem>>
    %dma_wait3A_724 = tpu.memref_squeeze %dma_wait3A_723 : memref<1x8x128xf32, #tpu.memory_space<vmem>> -> memref<8x128xf32, #tpu.memory_space<vmem>>
    %dma_wait3A_725 = tpu.memref_slice %arg2[%multiple_of3A_221, %multiple_of3A] : memref<100000x1024xf32, #tpu.memory_space<hbm>> -> memref<8x128xf32, #tpu.memory_space<hbm>>
    tpu.wait_dma2 semaphore(%arg10 : memref<!tpu.dma_semaphore, #tpu.memory_space<semaphore_mem>>) src(%dma_wait3A_725 : memref<8x128xf32, #tpu.memory_space<hbm>>) dst(%dma_wait3A_724 : memref<8x128xf32, #tpu.memory_space<vmem>>)
    %dma_wait3A_726 = arith.constant 12 : i32
    %dma_wait3A_727 = arith.constant 0 : i32
    %dma_wait3A_728 = arith.constant 0 : i32
    %dma_wait3A_729 = tpu.memref_slice %arg6[%dma_wait3A_726, %dma_wait3A_727, %dma_wait3A_728] : memref<32x8x128xf32, #tpu.memory_space<vmem>> -> memref<1x8x128xf32, #tpu.memory_space<vmem>>
    %dma_wait3A_730 = tpu.memref_squeeze %dma_wait3A_729 : memref<1x8x128xf32, #tpu.memory_space<vmem>> -> memref<8x128xf32, #tpu.memory_space<vmem>>
    %dma_wait3A_731 = tpu.memref_slice %arg2[%multiple_of3A_239, %multiple_of3A] : memref<100000x1024xf32, #tpu.memory_space<hbm>> -> memref<8x128xf32, #tpu.memory_space<hbm>>
    %dma_wait3A_732 = arith.constant 0 : i32
    %dma_wait3A_733 = arith.constant 0 : i32
    %dma_wait3A_734 = tpu.memref_slice %arg6[%dma_wait3A_726, %dma_wait3A_732, %dma_wait3A_733] : memref<32x8x128xf32, #tpu.memory_space<vmem>> -> memref<1x8x128xf32, #tpu.memory_space<vmem>>
    %dma_wait3A_735 = tpu.memref_squeeze %dma_wait3A_734 : memref<1x8x128xf32, #tpu.memory_space<vmem>> -> memref<8x128xf32, #tpu.memory_space<vmem>>
    %dma_wait3A_736 = tpu.memref_slice %arg2[%multiple_of3A_239, %multiple_of3A] : memref<100000x1024xf32, #tpu.memory_space<hbm>> -> memref<8x128xf32, #tpu.memory_space<hbm>>
    tpu.wait_dma2 semaphore(%arg10 : memref<!tpu.dma_semaphore, #tpu.memory_space<semaphore_mem>>) src(%dma_wait3A_736 : memref<8x128xf32, #tpu.memory_space<hbm>>) dst(%dma_wait3A_735 : memref<8x128xf32, #tpu.memory_space<vmem>>)
    %dma_wait3A_737 = arith.constant 13 : i32
    %dma_wait3A_738 = arith.constant 0 : i32
    %dma_wait3A_739 = arith.constant 0 : i32
    %dma_wait3A_740 = tpu.memref_slice %arg6[%dma_wait3A_737, %dma_wait3A_738, %dma_wait3A_739] : memref<32x8x128xf32, #tpu.memory_space<vmem>> -> memref<1x8x128xf32, #tpu.memory_space<vmem>>
    %dma_wait3A_741 = tpu.memref_squeeze %dma_wait3A_740 : memref<1x8x128xf32, #tpu.memory_space<vmem>> -> memref<8x128xf32, #tpu.memory_space<vmem>>
    %dma_wait3A_742 = tpu.memref_slice %arg2[%multiple_of3A_257, %multiple_of3A] : memref<100000x1024xf32, #tpu.memory_space<hbm>> -> memref<8x128xf32, #tpu.memory_space<hbm>>
    %dma_wait3A_743 = arith.constant 0 : i32
    %dma_wait3A_744 = arith.constant 0 : i32
    %dma_wait3A_745 = tpu.memref_slice %arg6[%dma_wait3A_737, %dma_wait3A_743, %dma_wait3A_744] : memref<32x8x128xf32, #tpu.memory_space<vmem>> -> memref<1x8x128xf32, #tpu.memory_space<vmem>>
    %dma_wait3A_746 = tpu.memref_squeeze %dma_wait3A_745 : memref<1x8x128xf32, #tpu.memory_space<vmem>> -> memref<8x128xf32, #tpu.memory_space<vmem>>
    %dma_wait3A_747 = tpu.memref_slice %arg2[%multiple_of3A_257, %multiple_of3A] : memref<100000x1024xf32, #tpu.memory_space<hbm>> -> memref<8x128xf32, #tpu.memory_space<hbm>>
    tpu.wait_dma2 semaphore(%arg10 : memref<!tpu.dma_semaphore, #tpu.memory_space<semaphore_mem>>) src(%dma_wait3A_747 : memref<8x128xf32, #tpu.memory_space<hbm>>) dst(%dma_wait3A_746 : memref<8x128xf32, #tpu.memory_space<vmem>>)
    %dma_wait3A_748 = arith.constant 14 : i32
    %dma_wait3A_749 = arith.constant 0 : i32
    %dma_wait3A_750 = arith.constant 0 : i32
    %dma_wait3A_751 = tpu.memref_slice %arg6[%dma_wait3A_748, %dma_wait3A_749, %dma_wait3A_750] : memref<32x8x128xf32, #tpu.memory_space<vmem>> -> memref<1x8x128xf32, #tpu.memory_space<vmem>>
    %dma_wait3A_752 = tpu.memref_squeeze %dma_wait3A_751 : memref<1x8x128xf32, #tpu.memory_space<vmem>> -> memref<8x128xf32, #tpu.memory_space<vmem>>
    %dma_wait3A_753 = tpu.memref_slice %arg2[%multiple_of3A_275, %multiple_of3A] : memref<100000x1024xf32, #tpu.memory_space<hbm>> -> memref<8x128xf32, #tpu.memory_space<hbm>>
    %dma_wait3A_754 = arith.constant 0 : i32
    %dma_wait3A_755 = arith.constant 0 : i32
    %dma_wait3A_756 = tpu.memref_slice %arg6[%dma_wait3A_748, %dma_wait3A_754, %dma_wait3A_755] : memref<32x8x128xf32, #tpu.memory_space<vmem>> -> memref<1x8x128xf32, #tpu.memory_space<vmem>>
    %dma_wait3A_757 = tpu.memref_squeeze %dma_wait3A_756 : memref<1x8x128xf32, #tpu.memory_space<vmem>> -> memref<8x128xf32, #tpu.memory_space<vmem>>
    %dma_wait3A_758 = tpu.memref_slice %arg2[%multiple_of3A_275, %multiple_of3A] : memref<100000x1024xf32, #tpu.memory_space<hbm>> -> memref<8x128xf32, #tpu.memory_space<hbm>>
    tpu.wait_dma2 semaphore(%arg10 : memref<!tpu.dma_semaphore, #tpu.memory_space<semaphore_mem>>) src(%dma_wait3A_758 : memref<8x128xf32, #tpu.memory_space<hbm>>) dst(%dma_wait3A_757 : memref<8x128xf32, #tpu.memory_space<vmem>>)
    %dma_wait3A_759 = arith.constant 15 : i32
    %dma_wait3A_760 = arith.constant 0 : i32
    %dma_wait3A_761 = arith.constant 0 : i32
    %dma_wait3A_762 = tpu.memref_slice %arg6[%dma_wait3A_759, %dma_wait3A_760, %dma_wait3A_761] : memref<32x8x128xf32, #tpu.memory_space<vmem>> -> memref<1x8x128xf32, #tpu.memory_space<vmem>>
    %dma_wait3A_763 = tpu.memref_squeeze %dma_wait3A_762 : memref<1x8x128xf32, #tpu.memory_space<vmem>> -> memref<8x128xf32, #tpu.memory_space<vmem>>
    %dma_wait3A_764 = tpu.memref_slice %arg2[%multiple_of3A_293, %multiple_of3A] : memref<100000x1024xf32, #tpu.memory_space<hbm>> -> memref<8x128xf32, #tpu.memory_space<hbm>>
    %dma_wait3A_765 = arith.constant 0 : i32
    %dma_wait3A_766 = arith.constant 0 : i32
    %dma_wait3A_767 = tpu.memref_slice %arg6[%dma_wait3A_759, %dma_wait3A_765, %dma_wait3A_766] : memref<32x8x128xf32, #tpu.memory_space<vmem>> -> memref<1x8x128xf32, #tpu.memory_space<vmem>>
    %dma_wait3A_768 = tpu.memref_squeeze %dma_wait3A_767 : memref<1x8x128xf32, #tpu.memory_space<vmem>> -> memref<8x128xf32, #tpu.memory_space<vmem>>
    %dma_wait3A_769 = tpu.memref_slice %arg2[%multiple_of3A_293, %multiple_of3A] : memref<100000x1024xf32, #tpu.memory_space<hbm>> -> memref<8x128xf32, #tpu.memory_space<hbm>>
    tpu.wait_dma2 semaphore(%arg10 : memref<!tpu.dma_semaphore, #tpu.memory_space<semaphore_mem>>) src(%dma_wait3A_769 : memref<8x128xf32, #tpu.memory_space<hbm>>) dst(%dma_wait3A_768 : memref<8x128xf32, #tpu.memory_space<vmem>>)
    %dma_wait3A_770 = arith.constant 16 : i32
    %dma_wait3A_771 = arith.constant 0 : i32
    %dma_wait3A_772 = arith.constant 0 : i32
    %dma_wait3A_773 = tpu.memref_slice %arg6[%dma_wait3A_770, %dma_wait3A_771, %dma_wait3A_772] : memref<32x8x128xf32, #tpu.memory_space<vmem>> -> memref<1x8x128xf32, #tpu.memory_space<vmem>>
    %dma_wait3A_774 = tpu.memref_squeeze %dma_wait3A_773 : memref<1x8x128xf32, #tpu.memory_space<vmem>> -> memref<8x128xf32, #tpu.memory_space<vmem>>
    %dma_wait3A_775 = tpu.memref_slice %arg2[%multiple_of3A_313, %multiple_of3A] : memref<100000x1024xf32, #tpu.memory_space<hbm>> -> memref<8x128xf32, #tpu.memory_space<hbm>>
    %dma_wait3A_776 = arith.constant 0 : i32
    %dma_wait3A_777 = arith.constant 0 : i32
    %dma_wait3A_778 = tpu.memref_slice %arg6[%dma_wait3A_770, %dma_wait3A_776, %dma_wait3A_777] : memref<32x8x128xf32, #tpu.memory_space<vmem>> -> memref<1x8x128xf32, #tpu.memory_space<vmem>>
    %dma_wait3A_779 = tpu.memref_squeeze %dma_wait3A_778 : memref<1x8x128xf32, #tpu.memory_space<vmem>> -> memref<8x128xf32, #tpu.memory_space<vmem>>
    %dma_wait3A_780 = tpu.memref_slice %arg2[%multiple_of3A_313, %multiple_of3A] : memref<100000x1024xf32, #tpu.memory_space<hbm>> -> memref<8x128xf32, #tpu.memory_space<hbm>>
    tpu.wait_dma2 semaphore(%arg10 : memref<!tpu.dma_semaphore, #tpu.memory_space<semaphore_mem>>) src(%dma_wait3A_780 : memref<8x128xf32, #tpu.memory_space<hbm>>) dst(%dma_wait3A_779 : memref<8x128xf32, #tpu.memory_space<vmem>>)
    %dma_wait3A_781 = arith.constant 17 : i32
    %dma_wait3A_782 = arith.constant 0 : i32
    %dma_wait3A_783 = arith.constant 0 : i32
    %dma_wait3A_784 = tpu.memref_slice %arg6[%dma_wait3A_781, %dma_wait3A_782, %dma_wait3A_783] : memref<32x8x128xf32, #tpu.memory_space<vmem>> -> memref<1x8x128xf32, #tpu.memory_space<vmem>>
    %dma_wait3A_785 = tpu.memref_squeeze %dma_wait3A_784 : memref<1x8x128xf32, #tpu.memory_space<vmem>> -> memref<8x128xf32, #tpu.memory_space<vmem>>
    %dma_wait3A_786 = tpu.memref_slice %arg2[%multiple_of3A_331, %multiple_of3A] : memref<100000x1024xf32, #tpu.memory_space<hbm>> -> memref<8x128xf32, #tpu.memory_space<hbm>>
    %dma_wait3A_787 = arith.constant 0 : i32
    %dma_wait3A_788 = arith.constant 0 : i32
    %dma_wait3A_789 = tpu.memref_slice %arg6[%dma_wait3A_781, %dma_wait3A_787, %dma_wait3A_788] : memref<32x8x128xf32, #tpu.memory_space<vmem>> -> memref<1x8x128xf32, #tpu.memory_space<vmem>>
    %dma_wait3A_790 = tpu.memref_squeeze %dma_wait3A_789 : memref<1x8x128xf32, #tpu.memory_space<vmem>> -> memref<8x128xf32, #tpu.memory_space<vmem>>
    %dma_wait3A_791 = tpu.memref_slice %arg2[%multiple_of3A_331, %multiple_of3A] : memref<100000x1024xf32, #tpu.memory_space<hbm>> -> memref<8x128xf32, #tpu.memory_space<hbm>>
    tpu.wait_dma2 semaphore(%arg10 : memref<!tpu.dma_semaphore, #tpu.memory_space<semaphore_mem>>) src(%dma_wait3A_791 : memref<8x128xf32, #tpu.memory_space<hbm>>) dst(%dma_wait3A_790 : memref<8x128xf32, #tpu.memory_space<vmem>>)
    %dma_wait3A_792 = arith.constant 18 : i32
    %dma_wait3A_793 = arith.constant 0 : i32
    %dma_wait3A_794 = arith.constant 0 : i32
    %dma_wait3A_795 = tpu.memref_slice %arg6[%dma_wait3A_792, %dma_wait3A_793, %dma_wait3A_794] : memref<32x8x128xf32, #tpu.memory_space<vmem>> -> memref<1x8x128xf32, #tpu.memory_space<vmem>>
    %dma_wait3A_796 = tpu.memref_squeeze %dma_wait3A_795 : memref<1x8x128xf32, #tpu.memory_space<vmem>> -> memref<8x128xf32, #tpu.memory_space<vmem>>
    %dma_wait3A_797 = tpu.memref_slice %arg2[%multiple_of3A_349, %multiple_of3A] : memref<100000x1024xf32, #tpu.memory_space<hbm>> -> memref<8x128xf32, #tpu.memory_space<hbm>>
    %dma_wait3A_798 = arith.constant 0 : i32
    %dma_wait3A_799 = arith.constant 0 : i32
    %dma_wait3A_800 = tpu.memref_slice %arg6[%dma_wait3A_792, %dma_wait3A_798, %dma_wait3A_799] : memref<32x8x128xf32, #tpu.memory_space<vmem>> -> memref<1x8x128xf32, #tpu.memory_space<vmem>>
    %dma_wait3A_801 = tpu.memref_squeeze %dma_wait3A_800 : memref<1x8x128xf32, #tpu.memory_space<vmem>> -> memref<8x128xf32, #tpu.memory_space<vmem>>
    %dma_wait3A_802 = tpu.memref_slice %arg2[%multiple_of3A_349, %multiple_of3A] : memref<100000x1024xf32, #tpu.memory_space<hbm>> -> memref<8x128xf32, #tpu.memory_space<hbm>>
    tpu.wait_dma2 semaphore(%arg10 : memref<!tpu.dma_semaphore, #tpu.memory_space<semaphore_mem>>) src(%dma_wait3A_802 : memref<8x128xf32, #tpu.memory_space<hbm>>) dst(%dma_wait3A_801 : memref<8x128xf32, #tpu.memory_space<vmem>>)
    %dma_wait3A_803 = arith.constant 19 : i32
    %dma_wait3A_804 = arith.constant 0 : i32
    %dma_wait3A_805 = arith.constant 0 : i32
    %dma_wait3A_806 = tpu.memref_slice %arg6[%dma_wait3A_803, %dma_wait3A_804, %dma_wait3A_805] : memref<32x8x128xf32, #tpu.memory_space<vmem>> -> memref<1x8x128xf32, #tpu.memory_space<vmem>>
    %dma_wait3A_807 = tpu.memref_squeeze %dma_wait3A_806 : memref<1x8x128xf32, #tpu.memory_space<vmem>> -> memref<8x128xf32, #tpu.memory_space<vmem>>
    %dma_wait3A_808 = tpu.memref_slice %arg2[%multiple_of3A_367, %multiple_of3A] : memref<100000x1024xf32, #tpu.memory_space<hbm>> -> memref<8x128xf32, #tpu.memory_space<hbm>>
    %dma_wait3A_809 = arith.constant 0 : i32
    %dma_wait3A_810 = arith.constant 0 : i32
    %dma_wait3A_811 = tpu.memref_slice %arg6[%dma_wait3A_803, %dma_wait3A_809, %dma_wait3A_810] : memref<32x8x128xf32, #tpu.memory_space<vmem>> -> memref<1x8x128xf32, #tpu.memory_space<vmem>>
    %dma_wait3A_812 = tpu.memref_squeeze %dma_wait3A_811 : memref<1x8x128xf32, #tpu.memory_space<vmem>> -> memref<8x128xf32, #tpu.memory_space<vmem>>
    %dma_wait3A_813 = tpu.memref_slice %arg2[%multiple_of3A_367, %multiple_of3A] : memref<100000x1024xf32, #tpu.memory_space<hbm>> -> memref<8x128xf32, #tpu.memory_space<hbm>>
    tpu.wait_dma2 semaphore(%arg10 : memref<!tpu.dma_semaphore, #tpu.memory_space<semaphore_mem>>) src(%dma_wait3A_813 : memref<8x128xf32, #tpu.memory_space<hbm>>) dst(%dma_wait3A_812 : memref<8x128xf32, #tpu.memory_space<vmem>>)
    %dma_wait3A_814 = arith.constant 20 : i32
    %dma_wait3A_815 = arith.constant 0 : i32
    %dma_wait3A_816 = arith.constant 0 : i32
    %dma_wait3A_817 = tpu.memref_slice %arg6[%dma_wait3A_814, %dma_wait3A_815, %dma_wait3A_816] : memref<32x8x128xf32, #tpu.memory_space<vmem>> -> memref<1x8x128xf32, #tpu.memory_space<vmem>>
    %dma_wait3A_818 = tpu.memref_squeeze %dma_wait3A_817 : memref<1x8x128xf32, #tpu.memory_space<vmem>> -> memref<8x128xf32, #tpu.memory_space<vmem>>
    %dma_wait3A_819 = tpu.memref_slice %arg2[%multiple_of3A_385, %multiple_of3A] : memref<100000x1024xf32, #tpu.memory_space<hbm>> -> memref<8x128xf32, #tpu.memory_space<hbm>>
    %dma_wait3A_820 = arith.constant 0 : i32
    %dma_wait3A_821 = arith.constant 0 : i32
    %dma_wait3A_822 = tpu.memref_slice %arg6[%dma_wait3A_814, %dma_wait3A_820, %dma_wait3A_821] : memref<32x8x128xf32, #tpu.memory_space<vmem>> -> memref<1x8x128xf32, #tpu.memory_space<vmem>>
    %dma_wait3A_823 = tpu.memref_squeeze %dma_wait3A_822 : memref<1x8x128xf32, #tpu.memory_space<vmem>> -> memref<8x128xf32, #tpu.memory_space<vmem>>
    %dma_wait3A_824 = tpu.memref_slice %arg2[%multiple_of3A_385, %multiple_of3A] : memref<100000x1024xf32, #tpu.memory_space<hbm>> -> memref<8x128xf32, #tpu.memory_space<hbm>>
    tpu.wait_dma2 semaphore(%arg10 : memref<!tpu.dma_semaphore, #tpu.memory_space<semaphore_mem>>) src(%dma_wait3A_824 : memref<8x128xf32, #tpu.memory_space<hbm>>) dst(%dma_wait3A_823 : memref<8x128xf32, #tpu.memory_space<vmem>>)
    %dma_wait3A_825 = arith.constant 21 : i32
    %dma_wait3A_826 = arith.constant 0 : i32
    %dma_wait3A_827 = arith.constant 0 : i32
    %dma_wait3A_828 = tpu.memref_slice %arg6[%dma_wait3A_825, %dma_wait3A_826, %dma_wait3A_827] : memref<32x8x128xf32, #tpu.memory_space<vmem>> -> memref<1x8x128xf32, #tpu.memory_space<vmem>>
    %dma_wait3A_829 = tpu.memref_squeeze %dma_wait3A_828 : memref<1x8x128xf32, #tpu.memory_space<vmem>> -> memref<8x128xf32, #tpu.memory_space<vmem>>
    %dma_wait3A_830 = tpu.memref_slice %arg2[%multiple_of3A_403, %multiple_of3A] : memref<100000x1024xf32, #tpu.memory_space<hbm>> -> memref<8x128xf32, #tpu.memory_space<hbm>>
    %dma_wait3A_831 = arith.constant 0 : i32
    %dma_wait3A_832 = arith.constant 0 : i32
    %dma_wait3A_833 = tpu.memref_slice %arg6[%dma_wait3A_825, %dma_wait3A_831, %dma_wait3A_832] : memref<32x8x128xf32, #tpu.memory_space<vmem>> -> memref<1x8x128xf32, #tpu.memory_space<vmem>>
    %dma_wait3A_834 = tpu.memref_squeeze %dma_wait3A_833 : memref<1x8x128xf32, #tpu.memory_space<vmem>> -> memref<8x128xf32, #tpu.memory_space<vmem>>
    %dma_wait3A_835 = tpu.memref_slice %arg2[%multiple_of3A_403, %multiple_of3A] : memref<100000x1024xf32, #tpu.memory_space<hbm>> -> memref<8x128xf32, #tpu.memory_space<hbm>>
    tpu.wait_dma2 semaphore(%arg10 : memref<!tpu.dma_semaphore, #tpu.memory_space<semaphore_mem>>) src(%dma_wait3A_835 : memref<8x128xf32, #tpu.memory_space<hbm>>) dst(%dma_wait3A_834 : memref<8x128xf32, #tpu.memory_space<vmem>>)
    %dma_wait3A_836 = arith.constant 22 : i32
    %dma_wait3A_837 = arith.constant 0 : i32
    %dma_wait3A_838 = arith.constant 0 : i32
    %dma_wait3A_839 = tpu.memref_slice %arg6[%dma_wait3A_836, %dma_wait3A_837, %dma_wait3A_838] : memref<32x8x128xf32, #tpu.memory_space<vmem>> -> memref<1x8x128xf32, #tpu.memory_space<vmem>>
    %dma_wait3A_840 = tpu.memref_squeeze %dma_wait3A_839 : memref<1x8x128xf32, #tpu.memory_space<vmem>> -> memref<8x128xf32, #tpu.memory_space<vmem>>
    %dma_wait3A_841 = tpu.memref_slice %arg2[%multiple_of3A_421, %multiple_of3A] : memref<100000x1024xf32, #tpu.memory_space<hbm>> -> memref<8x128xf32, #tpu.memory_space<hbm>>
    %dma_wait3A_842 = arith.constant 0 : i32
    %dma_wait3A_843 = arith.constant 0 : i32
    %dma_wait3A_844 = tpu.memref_slice %arg6[%dma_wait3A_836, %dma_wait3A_842, %dma_wait3A_843] : memref<32x8x128xf32, #tpu.memory_space<vmem>> -> memref<1x8x128xf32, #tpu.memory_space<vmem>>
    %dma_wait3A_845 = tpu.memref_squeeze %dma_wait3A_844 : memref<1x8x128xf32, #tpu.memory_space<vmem>> -> memref<8x128xf32, #tpu.memory_space<vmem>>
    %dma_wait3A_846 = tpu.memref_slice %arg2[%multiple_of3A_421, %multiple_of3A] : memref<100000x1024xf32, #tpu.memory_space<hbm>> -> memref<8x128xf32, #tpu.memory_space<hbm>>
    tpu.wait_dma2 semaphore(%arg10 : memref<!tpu.dma_semaphore, #tpu.memory_space<semaphore_mem>>) src(%dma_wait3A_846 : memref<8x128xf32, #tpu.memory_space<hbm>>) dst(%dma_wait3A_845 : memref<8x128xf32, #tpu.memory_space<vmem>>)
    %dma_wait3A_847 = arith.constant 23 : i32
    %dma_wait3A_848 = arith.constant 0 : i32
    %dma_wait3A_849 = arith.constant 0 : i32
    %dma_wait3A_850 = tpu.memref_slice %arg6[%dma_wait3A_847, %dma_wait3A_848, %dma_wait3A_849] : memref<32x8x128xf32, #tpu.memory_space<vmem>> -> memref<1x8x128xf32, #tpu.memory_space<vmem>>
    %dma_wait3A_851 = tpu.memref_squeeze %dma_wait3A_850 : memref<1x8x128xf32, #tpu.memory_space<vmem>> -> memref<8x128xf32, #tpu.memory_space<vmem>>
    %dma_wait3A_852 = tpu.memref_slice %arg2[%multiple_of3A_439, %multiple_of3A] : memref<100000x1024xf32, #tpu.memory_space<hbm>> -> memref<8x128xf32, #tpu.memory_space<hbm>>
    %dma_wait3A_853 = arith.constant 0 : i32
    %dma_wait3A_854 = arith.constant 0 : i32
    %dma_wait3A_855 = tpu.memref_slice %arg6[%dma_wait3A_847, %dma_wait3A_853, %dma_wait3A_854] : memref<32x8x128xf32, #tpu.memory_space<vmem>> -> memref<1x8x128xf32, #tpu.memory_space<vmem>>
    %dma_wait3A_856 = tpu.memref_squeeze %dma_wait3A_855 : memref<1x8x128xf32, #tpu.memory_space<vmem>> -> memref<8x128xf32, #tpu.memory_space<vmem>>
    %dma_wait3A_857 = tpu.memref_slice %arg2[%multiple_of3A_439, %multiple_of3A] : memref<100000x1024xf32, #tpu.memory_space<hbm>> -> memref<8x128xf32, #tpu.memory_space<hbm>>
    tpu.wait_dma2 semaphore(%arg10 : memref<!tpu.dma_semaphore, #tpu.memory_space<semaphore_mem>>) src(%dma_wait3A_857 : memref<8x128xf32, #tpu.memory_space<hbm>>) dst(%dma_wait3A_856 : memref<8x128xf32, #tpu.memory_space<vmem>>)
    %dma_wait3A_858 = arith.constant 24 : i32
    %dma_wait3A_859 = arith.constant 0 : i32
    %dma_wait3A_860 = arith.constant 0 : i32
    %dma_wait3A_861 = tpu.memref_slice %arg6[%dma_wait3A_858, %dma_wait3A_859, %dma_wait3A_860] : memref<32x8x128xf32, #tpu.memory_space<vmem>> -> memref<1x8x128xf32, #tpu.memory_space<vmem>>
    %dma_wait3A_862 = tpu.memref_squeeze %dma_wait3A_861 : memref<1x8x128xf32, #tpu.memory_space<vmem>> -> memref<8x128xf32, #tpu.memory_space<vmem>>
    %dma_wait3A_863 = tpu.memref_slice %arg2[%multiple_of3A_457, %multiple_of3A] : memref<100000x1024xf32, #tpu.memory_space<hbm>> -> memref<8x128xf32, #tpu.memory_space<hbm>>
    %dma_wait3A_864 = arith.constant 0 : i32
    %dma_wait3A_865 = arith.constant 0 : i32
    %dma_wait3A_866 = tpu.memref_slice %arg6[%dma_wait3A_858, %dma_wait3A_864, %dma_wait3A_865] : memref<32x8x128xf32, #tpu.memory_space<vmem>> -> memref<1x8x128xf32, #tpu.memory_space<vmem>>
    %dma_wait3A_867 = tpu.memref_squeeze %dma_wait3A_866 : memref<1x8x128xf32, #tpu.memory_space<vmem>> -> memref<8x128xf32, #tpu.memory_space<vmem>>
    %dma_wait3A_868 = tpu.memref_slice %arg2[%multiple_of3A_457, %multiple_of3A] : memref<100000x1024xf32, #tpu.memory_space<hbm>> -> memref<8x128xf32, #tpu.memory_space<hbm>>
    tpu.wait_dma2 semaphore(%arg10 : memref<!tpu.dma_semaphore, #tpu.memory_space<semaphore_mem>>) src(%dma_wait3A_868 : memref<8x128xf32, #tpu.memory_space<hbm>>) dst(%dma_wait3A_867 : memref<8x128xf32, #tpu.memory_space<vmem>>)
    %dma_wait3A_869 = arith.constant 25 : i32
    %dma_wait3A_870 = arith.constant 0 : i32
    %dma_wait3A_871 = arith.constant 0 : i32
    %dma_wait3A_872 = tpu.memref_slice %arg6[%dma_wait3A_869, %dma_wait3A_870, %dma_wait3A_871] : memref<32x8x128xf32, #tpu.memory_space<vmem>> -> memref<1x8x128xf32, #tpu.memory_space<vmem>>
    %dma_wait3A_873 = tpu.memref_squeeze %dma_wait3A_872 : memref<1x8x128xf32, #tpu.memory_space<vmem>> -> memref<8x128xf32, #tpu.memory_space<vmem>>
    %dma_wait3A_874 = tpu.memref_slice %arg2[%multiple_of3A_475, %multiple_of3A] : memref<100000x1024xf32, #tpu.memory_space<hbm>> -> memref<8x128xf32, #tpu.memory_space<hbm>>
    %dma_wait3A_875 = arith.constant 0 : i32
    %dma_wait3A_876 = arith.constant 0 : i32
    %dma_wait3A_877 = tpu.memref_slice %arg6[%dma_wait3A_869, %dma_wait3A_875, %dma_wait3A_876] : memref<32x8x128xf32, #tpu.memory_space<vmem>> -> memref<1x8x128xf32, #tpu.memory_space<vmem>>
    %dma_wait3A_878 = tpu.memref_squeeze %dma_wait3A_877 : memref<1x8x128xf32, #tpu.memory_space<vmem>> -> memref<8x128xf32, #tpu.memory_space<vmem>>
    %dma_wait3A_879 = tpu.memref_slice %arg2[%multiple_of3A_475, %multiple_of3A] : memref<100000x1024xf32, #tpu.memory_space<hbm>> -> memref<8x128xf32, #tpu.memory_space<hbm>>
    tpu.wait_dma2 semaphore(%arg10 : memref<!tpu.dma_semaphore, #tpu.memory_space<semaphore_mem>>) src(%dma_wait3A_879 : memref<8x128xf32, #tpu.memory_space<hbm>>) dst(%dma_wait3A_878 : memref<8x128xf32, #tpu.memory_space<vmem>>)
    %dma_wait3A_880 = arith.constant 26 : i32
    %dma_wait3A_881 = arith.constant 0 : i32
    %dma_wait3A_882 = arith.constant 0 : i32
    %dma_wait3A_883 = tpu.memref_slice %arg6[%dma_wait3A_880, %dma_wait3A_881, %dma_wait3A_882] : memref<32x8x128xf32, #tpu.memory_space<vmem>> -> memref<1x8x128xf32, #tpu.memory_space<vmem>>
    %dma_wait3A_884 = tpu.memref_squeeze %dma_wait3A_883 : memref<1x8x128xf32, #tpu.memory_space<vmem>> -> memref<8x128xf32, #tpu.memory_space<vmem>>
    %dma_wait3A_885 = tpu.memref_slice %arg2[%multiple_of3A_493, %multiple_of3A] : memref<100000x1024xf32, #tpu.memory_space<hbm>> -> memref<8x128xf32, #tpu.memory_space<hbm>>
    %dma_wait3A_886 = arith.constant 0 : i32
    %dma_wait3A_887 = arith.constant 0 : i32
    %dma_wait3A_888 = tpu.memref_slice %arg6[%dma_wait3A_880, %dma_wait3A_886, %dma_wait3A_887] : memref<32x8x128xf32, #tpu.memory_space<vmem>> -> memref<1x8x128xf32, #tpu.memory_space<vmem>>
    %dma_wait3A_889 = tpu.memref_squeeze %dma_wait3A_888 : memref<1x8x128xf32, #tpu.memory_space<vmem>> -> memref<8x128xf32, #tpu.memory_space<vmem>>
    %dma_wait3A_890 = tpu.memref_slice %arg2[%multiple_of3A_493, %multiple_of3A] : memref<100000x1024xf32, #tpu.memory_space<hbm>> -> memref<8x128xf32, #tpu.memory_space<hbm>>
    tpu.wait_dma2 semaphore(%arg10 : memref<!tpu.dma_semaphore, #tpu.memory_space<semaphore_mem>>) src(%dma_wait3A_890 : memref<8x128xf32, #tpu.memory_space<hbm>>) dst(%dma_wait3A_889 : memref<8x128xf32, #tpu.memory_space<vmem>>)
    %dma_wait3A_891 = arith.constant 27 : i32
    %dma_wait3A_892 = arith.constant 0 : i32
    %dma_wait3A_893 = arith.constant 0 : i32
    %dma_wait3A_894 = tpu.memref_slice %arg6[%dma_wait3A_891, %dma_wait3A_892, %dma_wait3A_893] : memref<32x8x128xf32, #tpu.memory_space<vmem>> -> memref<1x8x128xf32, #tpu.memory_space<vmem>>
    %dma_wait3A_895 = tpu.memref_squeeze %dma_wait3A_894 : memref<1x8x128xf32, #tpu.memory_space<vmem>> -> memref<8x128xf32, #tpu.memory_space<vmem>>
    %dma_wait3A_896 = tpu.memref_slice %arg2[%multiple_of3A_511, %multiple_of3A] : memref<100000x1024xf32, #tpu.memory_space<hbm>> -> memref<8x128xf32, #tpu.memory_space<hbm>>
    %dma_wait3A_897 = arith.constant 0 : i32
    %dma_wait3A_898 = arith.constant 0 : i32
    %dma_wait3A_899 = tpu.memref_slice %arg6[%dma_wait3A_891, %dma_wait3A_897, %dma_wait3A_898] : memref<32x8x128xf32, #tpu.memory_space<vmem>> -> memref<1x8x128xf32, #tpu.memory_space<vmem>>
    %dma_wait3A_900 = tpu.memref_squeeze %dma_wait3A_899 : memref<1x8x128xf32, #tpu.memory_space<vmem>> -> memref<8x128xf32, #tpu.memory_space<vmem>>
    %dma_wait3A_901 = tpu.memref_slice %arg2[%multiple_of3A_511, %multiple_of3A] : memref<100000x1024xf32, #tpu.memory_space<hbm>> -> memref<8x128xf32, #tpu.memory_space<hbm>>
    tpu.wait_dma2 semaphore(%arg10 : memref<!tpu.dma_semaphore, #tpu.memory_space<semaphore_mem>>) src(%dma_wait3A_901 : memref<8x128xf32, #tpu.memory_space<hbm>>) dst(%dma_wait3A_900 : memref<8x128xf32, #tpu.memory_space<vmem>>)
    %dma_wait3A_902 = arith.constant 28 : i32
    %dma_wait3A_903 = arith.constant 0 : i32
    %dma_wait3A_904 = arith.constant 0 : i32
    %dma_wait3A_905 = tpu.memref_slice %arg6[%dma_wait3A_902, %dma_wait3A_903, %dma_wait3A_904] : memref<32x8x128xf32, #tpu.memory_space<vmem>> -> memref<1x8x128xf32, #tpu.memory_space<vmem>>
    %dma_wait3A_906 = tpu.memref_squeeze %dma_wait3A_905 : memref<1x8x128xf32, #tpu.memory_space<vmem>> -> memref<8x128xf32, #tpu.memory_space<vmem>>
    %dma_wait3A_907 = tpu.memref_slice %arg2[%multiple_of3A_529, %multiple_of3A] : memref<100000x1024xf32, #tpu.memory_space<hbm>> -> memref<8x128xf32, #tpu.memory_space<hbm>>
    %dma_wait3A_908 = arith.constant 0 : i32
    %dma_wait3A_909 = arith.constant 0 : i32
    %dma_wait3A_910 = tpu.memref_slice %arg6[%dma_wait3A_902, %dma_wait3A_908, %dma_wait3A_909] : memref<32x8x128xf32, #tpu.memory_space<vmem>> -> memref<1x8x128xf32, #tpu.memory_space<vmem>>
    %dma_wait3A_911 = tpu.memref_squeeze %dma_wait3A_910 : memref<1x8x128xf32, #tpu.memory_space<vmem>> -> memref<8x128xf32, #tpu.memory_space<vmem>>
    %dma_wait3A_912 = tpu.memref_slice %arg2[%multiple_of3A_529, %multiple_of3A] : memref<100000x1024xf32, #tpu.memory_space<hbm>> -> memref<8x128xf32, #tpu.memory_space<hbm>>
    tpu.wait_dma2 semaphore(%arg10 : memref<!tpu.dma_semaphore, #tpu.memory_space<semaphore_mem>>) src(%dma_wait3A_912 : memref<8x128xf32, #tpu.memory_space<hbm>>) dst(%dma_wait3A_911 : memref<8x128xf32, #tpu.memory_space<vmem>>)
    %dma_wait3A_913 = arith.constant 29 : i32
    %dma_wait3A_914 = arith.constant 0 : i32
    %dma_wait3A_915 = arith.constant 0 : i32
    %dma_wait3A_916 = tpu.memref_slice %arg6[%dma_wait3A_913, %dma_wait3A_914, %dma_wait3A_915] : memref<32x8x128xf32, #tpu.memory_space<vmem>> -> memref<1x8x128xf32, #tpu.memory_space<vmem>>
    %dma_wait3A_917 = tpu.memref_squeeze %dma_wait3A_916 : memref<1x8x128xf32, #tpu.memory_space<vmem>> -> memref<8x128xf32, #tpu.memory_space<vmem>>
    %dma_wait3A_918 = tpu.memref_slice %arg2[%multiple_of3A_547, %multiple_of3A] : memref<100000x1024xf32, #tpu.memory_space<hbm>> -> memref<8x128xf32, #tpu.memory_space<hbm>>
    %dma_wait3A_919 = arith.constant 0 : i32
    %dma_wait3A_920 = arith.constant 0 : i32
    %dma_wait3A_921 = tpu.memref_slice %arg6[%dma_wait3A_913, %dma_wait3A_919, %dma_wait3A_920] : memref<32x8x128xf32, #tpu.memory_space<vmem>> -> memref<1x8x128xf32, #tpu.memory_space<vmem>>
    %dma_wait3A_922 = tpu.memref_squeeze %dma_wait3A_921 : memref<1x8x128xf32, #tpu.memory_space<vmem>> -> memref<8x128xf32, #tpu.memory_space<vmem>>
    %dma_wait3A_923 = tpu.memref_slice %arg2[%multiple_of3A_547, %multiple_of3A] : memref<100000x1024xf32, #tpu.memory_space<hbm>> -> memref<8x128xf32, #tpu.memory_space<hbm>>
    tpu.wait_dma2 semaphore(%arg10 : memref<!tpu.dma_semaphore, #tpu.memory_space<semaphore_mem>>) src(%dma_wait3A_923 : memref<8x128xf32, #tpu.memory_space<hbm>>) dst(%dma_wait3A_922 : memref<8x128xf32, #tpu.memory_space<vmem>>)
    %dma_wait3A_924 = arith.constant 30 : i32
    %dma_wait3A_925 = arith.constant 0 : i32
    %dma_wait3A_926 = arith.constant 0 : i32
    %dma_wait3A_927 = tpu.memref_slice %arg6[%dma_wait3A_924, %dma_wait3A_925, %dma_wait3A_926] : memref<32x8x128xf32, #tpu.memory_space<vmem>> -> memref<1x8x128xf32, #tpu.memory_space<vmem>>
    %dma_wait3A_928 = tpu.memref_squeeze %dma_wait3A_927 : memref<1x8x128xf32, #tpu.memory_space<vmem>> -> memref<8x128xf32, #tpu.memory_space<vmem>>
    %dma_wait3A_929 = tpu.memref_slice %arg2[%multiple_of3A_565, %multiple_of3A] : memref<100000x1024xf32, #tpu.memory_space<hbm>> -> memref<8x128xf32, #tpu.memory_space<hbm>>
    %dma_wait3A_930 = arith.constant 0 : i32
    %dma_wait3A_931 = arith.constant 0 : i32
    %dma_wait3A_932 = tpu.memref_slice %arg6[%dma_wait3A_924, %dma_wait3A_930, %dma_wait3A_931] : memref<32x8x128xf32, #tpu.memory_space<vmem>> -> memref<1x8x128xf32, #tpu.memory_space<vmem>>
    %dma_wait3A_933 = tpu.memref_squeeze %dma_wait3A_932 : memref<1x8x128xf32, #tpu.memory_space<vmem>> -> memref<8x128xf32, #tpu.memory_space<vmem>>
    %dma_wait3A_934 = tpu.memref_slice %arg2[%multiple_of3A_565, %multiple_of3A] : memref<100000x1024xf32, #tpu.memory_space<hbm>> -> memref<8x128xf32, #tpu.memory_space<hbm>>
    tpu.wait_dma2 semaphore(%arg10 : memref<!tpu.dma_semaphore, #tpu.memory_space<semaphore_mem>>) src(%dma_wait3A_934 : memref<8x128xf32, #tpu.memory_space<hbm>>) dst(%dma_wait3A_933 : memref<8x128xf32, #tpu.memory_space<vmem>>)
    %dma_wait3A_935 = arith.constant 31 : i32
    %dma_wait3A_936 = arith.constant 0 : i32
    %dma_wait3A_937 = arith.constant 0 : i32
    %dma_wait3A_938 = tpu.memref_slice %arg6[%dma_wait3A_935, %dma_wait3A_936, %dma_wait3A_937] : memref<32x8x128xf32, #tpu.memory_space<vmem>> -> memref<1x8x128xf32, #tpu.memory_space<vmem>>
    %dma_wait3A_939 = tpu.memref_squeeze %dma_wait3A_938 : memref<1x8x128xf32, #tpu.memory_space<vmem>> -> memref<8x128xf32, #tpu.memory_space<vmem>>
    %dma_wait3A_940 = tpu.memref_slice %arg2[%multiple_of3A_583, %multiple_of3A] : memref<100000x1024xf32, #tpu.memory_space<hbm>> -> memref<8x128xf32, #tpu.memory_space<hbm>>
    %dma_wait3A_941 = arith.constant 0 : i32
    %dma_wait3A_942 = arith.constant 0 : i32
    %dma_wait3A_943 = tpu.memref_slice %arg6[%dma_wait3A_935, %dma_wait3A_941, %dma_wait3A_942] : memref<32x8x128xf32, #tpu.memory_space<vmem>> -> memref<1x8x128xf32, #tpu.memory_space<vmem>>
    %dma_wait3A_944 = tpu.memref_squeeze %dma_wait3A_943 : memref<1x8x128xf32, #tpu.memory_space<vmem>> -> memref<8x128xf32, #tpu.memory_space<vmem>>
    %dma_wait3A_945 = tpu.memref_slice %arg2[%multiple_of3A_583, %multiple_of3A] : memref<100000x1024xf32, #tpu.memory_space<hbm>> -> memref<8x128xf32, #tpu.memory_space<hbm>>
    tpu.wait_dma2 semaphore(%arg10 : memref<!tpu.dma_semaphore, #tpu.memory_space<semaphore_mem>>) src(%dma_wait3A_945 : memref<8x128xf32, #tpu.memory_space<hbm>>) dst(%dma_wait3A_944 : memref<8x128xf32, #tpu.memory_space<vmem>>)
    %jit3A_946 = arith.constant 128 : i32
    %div3A_947 = arith.divsi %mul3A_2, %jit3A_946 : i32
    %sign3A_948 = arith.constant 0 : i32
    %sign3A_949 = arith.cmpi sgt, %mul3A_2, %sign3A_948 : i32
    %sign3A_950 = arith.extui %sign3A_949 : i1 to i32
    %sign3A_951 = arith.constant 0 : i32
    %sign3A_952 = arith.cmpi slt, %mul3A_2, %sign3A_951 : i32
    %sign3A_953 = arith.extui %sign3A_952 : i1 to i32
    %sign3A_954 = arith.subi %sign3A_950, %sign3A_953 : i32
    %sign3A_955 = arith.constant 0 : i32
    %sign3A_956 = arith.cmpi sgt, %jit3A_946, %sign3A_955 : i32
    %sign3A_957 = arith.extui %sign3A_956 : i1 to i32
    %sign3A_958 = arith.constant 0 : i32
    %sign3A_959 = arith.cmpi slt, %jit3A_946, %sign3A_958 : i32
    %sign3A_960 = arith.extui %sign3A_959 : i1 to i32
    %sign3A_961 = arith.subi %sign3A_957, %sign3A_960 : i32
    %ne3A_962 = arith.cmpi ne, %sign3A_954, %sign3A_961 : i32
    %rem3A_963 = arith.remsi %mul3A_2, %jit3A_946 : i32
    %ne3A_964 = arith.constant 0 : i32
    %ne3A_965 = arith.cmpi ne, %rem3A_963, %ne3A_964 : i32
    %and3A_966 = arith.andi %ne3A_962, %ne3A_965 : i1
    %sub3A_967 = arith.constant 1 : i32
    %sub3A_968 = arith.subi %div3A_947, %sub3A_967 : i32
    %select_n3A_969 = arith.select %and3A_966, %sub3A_968, %div3A_947 : i32
    %mul3A_970 = arith.constant 128 : i32
    %mul3A_971 = arith.muli %select_n3A_969, %mul3A_970 : i32
    %sub3A_972 = arith.subi %mul3A_2, %mul3A_971 : i32
    %broadcast_in_dim3A = arith.constant 0.000000e+00 : f32
    %broadcast_in_dim3A_973 = vector.broadcast %broadcast_in_dim3A : f32 to vector<16xf32>
    %get3A_974 = arith.constant 0 : index
    %get3A_975 = tpu.vector_load %arg5[%get3A_974] {strides = array<i32>} : memref<32xi32, #tpu.memory_space<vmem>>, vector<16xi32>,
    %add3A_976 = arith.constant 0 : i32
    %add3A_977 = vector.broadcast %add3A_976 : i32 to vector<16xi32>
    %add3A_978 = arith.addi %add3A_977, %iota3A : vector<16xi32>
    %and3A_979 = arith.constant 7 : i32
    %and3A_980 = vector.broadcast %and3A_979 : i32 to vector<16xi32>
    %and3A_981 = arith.andi %get3A_975, %and3A_980 : vector<16xi32>
    %add3A_982 = arith.constant 0 : i32
    %add3A_983 = arith.addi %sub3A_972, %add3A_982 : i32
    %add3A_984 = vector.broadcast %add3A_983 : i32 to vector<16xi32>
    %add3A_985 = arith.addi %add3A_984, %iota3A : vector<16xi32>
    %gather3A = tpu.vector_load_idx %arg6[%add3A_978, %and3A_981, %add3A_985] : memref<32x8x128xf32, #tpu.memory_space<vmem>>[vector<16xi32>, vector<16xi32>, vector<16xi32>], vector<16xf32>,
    %ne3A_986 = arith.constant 0 : i32
    %ne3A_987 = vector.broadcast %ne3A_986 : i32 to vector<16xi32>
    %ne3A_988 = arith.cmpi ne, %get3A_975, %ne3A_987 : vector<16xi32>
    %neg3A = arith.constant 0.000000e+00 : f32
    %neg3A_989 = vector.broadcast %neg3A : f32 to vector<16xf32>
    %neg3A_990 = arith.subf %neg3A_989, %gather3A : vector<16xf32>
    %jit3A_991 = arith.constant 0.000000e+00 : f32
    %broadcast_in_dim3A_992 = vector.broadcast %jit3A_991 : f32 to vector<16xf32>
    %select_n3A_993 = arith.select %ne3A_988, %neg3A_990, %broadcast_in_dim3A_992 : vector<16xi1>, vector<16xf32>
    %add3A_994 = arith.addf %broadcast_in_dim3A_973, %select_n3A_993 : vector<16xf32>
    %get3A_995 = arith.constant 16 : index
    %get3A_996 = tpu.vector_load %arg5[%get3A_995] {strides = array<i32>} : memref<32xi32, #tpu.memory_space<vmem>>, vector<16xi32>,
    %add3A_997 = arith.constant 16 : i32
    %add3A_998 = vector.broadcast %add3A_997 : i32 to vector<16xi32>
    %add3A_999 = arith.addi %add3A_998, %iota3A : vector<16xi32>
    %and3A_1000 = arith.constant 7 : i32
    %and3A_1001 = vector.broadcast %and3A_1000 : i32 to vector<16xi32>
    %and3A_1002 = arith.andi %get3A_996, %and3A_1001 : vector<16xi32>
    %add3A_1003 = arith.constant 16 : i32
    %add3A_1004 = arith.addi %sub3A_972, %add3A_1003 : i32
    %add3A_1005 = vector.broadcast %add3A_1004 : i32 to vector<16xi32>
    %add3A_1006 = arith.addi %add3A_1005, %iota3A : vector<16xi32>
    %gather3A_1007 = tpu.vector_load_idx %arg6[%add3A_999, %and3A_1002, %add3A_1006] : memref<32x8x128xf32, #tpu.memory_space<vmem>>[vector<16xi32>, vector<16xi32>, vector<16xi32>], vector<16xf32>,
    %ne3A_1008 = arith.constant 0 : i32
    %ne3A_1009 = vector.broadcast %ne3A_1008 : i32 to vector<16xi32>
    %ne3A_1010 = arith.cmpi ne, %get3A_996, %ne3A_1009 : vector<16xi32>
    %neg3A_1011 = arith.constant 0.000000e+00 : f32
    %neg3A_1012 = vector.broadcast %neg3A_1011 : f32 to vector<16xf32>
    %neg3A_1013 = arith.subf %neg3A_1012, %gather3A_1007 : vector<16xf32>
    %jit3A_1014 = arith.constant 0.000000e+00 : f32
    %broadcast_in_dim3A_1015 = vector.broadcast %jit3A_1014 : f32 to vector<16xf32>
    %select_n3A_1016 = arith.select %ne3A_1010, %neg3A_1013, %broadcast_in_dim3A_1015 : vector<16xi1>, vector<16xf32>
    %add3A_1017 = arith.addf %add3A_994, %select_n3A_1016 : vector<16xf32>
    %swap3A = arith.constant 0 : index
    %swap3A_1018 = tpu.vector_load %arg7[%swap3A] {strides = array<i32>} : memref<16xf32, #tpu.memory_space<vmem>>, vector<16xf32>,
    tpu.vector_store %arg7[%swap3A], %add3A_1017 {strides = array<i32>} : memref<16xf32, #tpu.memory_space<vmem>>, vector<16xf32>,
    %mul3A_1019 = arith.constant 16 : i32
    %mul3A_1020 = arith.muli %arg1, %mul3A_1019 : i32
    "tpu.region"() ({
      %run_scoped3A = tpu.sem_alloc : memref<!tpu.dma_semaphore, #tpu.memory_space<semaphore_mem>>
      %dma_start3A_1023 = tpu.memref_slice %arg9[%mul3A_1020] : memref<256xf32, #tpu.memory_space<vmem_shared>> -> memref<16xf32, #tpu.memory_space<vmem_shared>>
      %dma_start3A_1024 = tpu.memref_slice %arg9[%mul3A_1020] : memref<256xf32, #tpu.memory_space<vmem_shared>> -> memref<16xf32, #tpu.memory_space<vmem_shared>>
      tpu.enqueue_dma source(%arg7 : memref<16xf32, #tpu.memory_space<vmem>>) target(%dma_start3A_1024 : memref<16xf32, #tpu.memory_space<vmem_shared>>) target_semaphore(%run_scoped3A : memref<!tpu.dma_semaphore, #tpu.memory_space<semaphore_mem>>)
      %dma_wait3A_1025 = tpu.memref_slice %arg9[%mul3A_1020] : memref<256xf32, #tpu.memory_space<vmem_shared>> -> memref<16xf32, #tpu.memory_space<vmem_shared>>
      %dma_wait3A_1026 = tpu.memref_slice %arg9[%mul3A_1020] : memref<256xf32, #tpu.memory_space<vmem_shared>> -> memref<16xf32, #tpu.memory_space<vmem_shared>>
      tpu.wait_dma2 semaphore(%run_scoped3A : memref<!tpu.dma_semaphore, #tpu.memory_space<semaphore_mem>>) src(%arg7 : memref<16xf32, #tpu.memory_space<vmem>>) dst(%dma_wait3A_1026 : memref<16xf32, #tpu.memory_space<vmem_shared>>)
      tpu.yield
    }) : () -> ()
    %barrier3A = arith.constant 0 : index
    tpu.barrier barrier_id(%barrier3A)
    %eq3A = arith.constant 0 : i32
    %eq3A_1021 = arith.cmpi eq, %arg1, %eq3A : i32
    %convert_element_type3A = arith.extui %eq3A_1021 : i1 to i32
    %cond3A = arith.constant 0 : i32
    %cond3A_1022 = arith.cmpi ne, %convert_element_type3A, %cond3A : i32
    scf.if %cond3A_1022 {
      "tpu.region"() ({
        %run_scoped3A = tpu.sem_alloc : memref<!tpu.dma_semaphore, #tpu.memory_space<semaphore_mem>>
        tpu.enqueue_dma source(%arg9 : memref<256xf32, #tpu.memory_space<vmem_shared>>) target(%arg8 : memref<256xf32, #tpu.memory_space<vmem>>) target_semaphore(%run_scoped3A : memref<!tpu.dma_semaphore, #tpu.memory_space<semaphore_mem>>)
        tpu.wait_dma2 semaphore(%run_scoped3A : memref<!tpu.dma_semaphore, #tpu.memory_space<semaphore_mem>>) src(%arg9 : memref<256xf32, #tpu.memory_space<vmem_shared>>) dst(%arg8 : memref<256xf32, #tpu.memory_space<vmem>>)
        tpu.yield
      }) : () -> ()
      %get3A_1023 = arith.constant 0 : index
      %get3A_1024 = tpu.vector_load %arg8[%get3A_1023] {strides = array<i32>} : memref<256xf32, #tpu.memory_space<vmem>>, vector<16xf32>,
      %get3A_1025 = arith.constant 16 : index
      %get3A_1026 = tpu.vector_load %arg8[%get3A_1025] {strides = array<i32>} : memref<256xf32, #tpu.memory_space<vmem>>, vector<16xf32>,
      %add3A_1027 = arith.addf %get3A_1024, %get3A_1026 : vector<16xf32>
      %get3A_1028 = arith.constant 32 : index
      %get3A_1029 = tpu.vector_load %arg8[%get3A_1028] {strides = array<i32>} : memref<256xf32, #tpu.memory_space<vmem>>, vector<16xf32>,
      %add3A_1030 = arith.addf %add3A_1027, %get3A_1029 : vector<16xf32>
      %get3A_1031 = arith.constant 48 : index
      %get3A_1032 = tpu.vector_load %arg8[%get3A_1031] {strides = array<i32>} : memref<256xf32, #tpu.memory_space<vmem>>, vector<16xf32>,
      %add3A_1033 = arith.addf %add3A_1030, %get3A_1032 : vector<16xf32>
      %get3A_1034 = arith.constant 64 : index
      %get3A_1035 = tpu.vector_load %arg8[%get3A_1034] {strides = array<i32>} : memref<256xf32, #tpu.memory_space<vmem>>, vector<16xf32>,
      %add3A_1036 = arith.addf %add3A_1033, %get3A_1035 : vector<16xf32>
      %get3A_1037 = arith.constant 80 : index
      %get3A_1038 = tpu.vector_load %arg8[%get3A_1037] {strides = array<i32>} : memref<256xf32, #tpu.memory_space<vmem>>, vector<16xf32>,
      %add3A_1039 = arith.addf %add3A_1036, %get3A_1038 : vector<16xf32>
      %get3A_1040 = arith.constant 96 : index
      %get3A_1041 = tpu.vector_load %arg8[%get3A_1040] {strides = array<i32>} : memref<256xf32, #tpu.memory_space<vmem>>, vector<16xf32>,
      %add3A_1042 = arith.addf %add3A_1039, %get3A_1041 : vector<16xf32>
      %get3A_1043 = arith.constant 112 : index
      %get3A_1044 = tpu.vector_load %arg8[%get3A_1043] {strides = array<i32>} : memref<256xf32, #tpu.memory_space<vmem>>, vector<16xf32>,
      %add3A_1045 = arith.addf %add3A_1042, %get3A_1044 : vector<16xf32>
      %get3A_1046 = arith.constant 128 : index
      %get3A_1047 = tpu.vector_load %arg8[%get3A_1046] {strides = array<i32>} : memref<256xf32, #tpu.memory_space<vmem>>, vector<16xf32>,
      %add3A_1048 = arith.addf %add3A_1045, %get3A_1047 : vector<16xf32>
      %get3A_1049 = arith.constant 144 : index
      %get3A_1050 = tpu.vector_load %arg8[%get3A_1049] {strides = array<i32>} : memref<256xf32, #tpu.memory_space<vmem>>, vector<16xf32>,
      %add3A_1051 = arith.addf %add3A_1048, %get3A_1050 : vector<16xf32>
      %get3A_1052 = arith.constant 160 : index
      %get3A_1053 = tpu.vector_load %arg8[%get3A_1052] {strides = array<i32>} : memref<256xf32, #tpu.memory_space<vmem>>, vector<16xf32>,
      %add3A_1054 = arith.addf %add3A_1051, %get3A_1053 : vector<16xf32>
      %get3A_1055 = arith.constant 176 : index
      %get3A_1056 = tpu.vector_load %arg8[%get3A_1055] {strides = array<i32>} : memref<256xf32, #tpu.memory_space<vmem>>, vector<16xf32>,
      %add3A_1057 = arith.addf %add3A_1054, %get3A_1056 : vector<16xf32>
      %get3A_1058 = arith.constant 192 : index
      %get3A_1059 = tpu.vector_load %arg8[%get3A_1058] {strides = array<i32>} : memref<256xf32, #tpu.memory_space<vmem>>, vector<16xf32>,
      %add3A_1060 = arith.addf %add3A_1057, %get3A_1059 : vector<16xf32>
      %get3A_1061 = arith.constant 208 : index
      %get3A_1062 = tpu.vector_load %arg8[%get3A_1061] {strides = array<i32>} : memref<256xf32, #tpu.memory_space<vmem>>, vector<16xf32>,
      %add3A_1063 = arith.addf %add3A_1060, %get3A_1062 : vector<16xf32>
      %get3A_1064 = arith.constant 224 : index
      %get3A_1065 = tpu.vector_load %arg8[%get3A_1064] {strides = array<i32>} : memref<256xf32, #tpu.memory_space<vmem>>, vector<16xf32>,
      %add3A_1066 = arith.addf %add3A_1063, %get3A_1065 : vector<16xf32>
      %get3A_1067 = arith.constant 240 : index
      %get3A_1068 = tpu.vector_load %arg8[%get3A_1067] {strides = array<i32>} : memref<256xf32, #tpu.memory_space<vmem>>, vector<16xf32>,
      %add3A_1069 = arith.addf %add3A_1066, %get3A_1068 : vector<16xf32>
      %swap3A_1070 = arith.constant 0 : index
      %swap3A_1071 = tpu.vector_load %arg7[%swap3A_1070] {strides = array<i32>} : memref<16xf32, #tpu.memory_space<vmem>>, vector<16xf32>,
      tpu.vector_store %arg7[%swap3A_1070], %add3A_1069 {strides = array<i32>} : memref<16xf32, #tpu.memory_space<vmem>>, vector<16xf32>,
      "tpu.region"() ({
        %run_scoped3A = tpu.sem_alloc : memref<!tpu.dma_semaphore, #tpu.memory_space<semaphore_mem>>
        %dma_start3A_1072 = arith.constant 0 : i32
        %dma_start3A_1073 = tpu.memref_slice %arg4[%arg0, %dma_start3A_1072] : memref<2x16xf32, #tpu.memory_space<hbm>> -> memref<1x16xf32, #tpu.memory_space<hbm>>
        %dma_start3A_1074 = tpu.memref_squeeze %dma_start3A_1073 : memref<1x16xf32, #tpu.memory_space<hbm>> -> memref<16xf32, #tpu.memory_space<hbm>>
        %dma_start3A_1075 = arith.constant 0 : i32
        %dma_start3A_1076 = tpu.memref_slice %arg4[%arg0, %dma_start3A_1075] : memref<2x16xf32, #tpu.memory_space<hbm>> -> memref<1x16xf32, #tpu.memory_space<hbm>>
        %dma_start3A_1077 = tpu.memref_squeeze %dma_start3A_1076 : memref<1x16xf32, #tpu.memory_space<hbm>> -> memref<16xf32, #tpu.memory_space<hbm>>
        tpu.enqueue_dma source(%arg7 : memref<16xf32, #tpu.memory_space<vmem>>) target(%dma_start3A_1077 : memref<16xf32, #tpu.memory_space<hbm>>) target_semaphore(%run_scoped3A : memref<!tpu.dma_semaphore, #tpu.memory_space<semaphore_mem>>)
        %dma_wait3A_1078 = arith.constant 0 : i32
        %dma_wait3A_1079 = tpu.memref_slice %arg4[%arg0, %dma_wait3A_1078] : memref<2x16xf32, #tpu.memory_space<hbm>> -> memref<1x16xf32, #tpu.memory_space<hbm>>
        %dma_wait3A_1080 = tpu.memref_squeeze %dma_wait3A_1079 : memref<1x16xf32, #tpu.memory_space<hbm>> -> memref<16xf32, #tpu.memory_space<hbm>>
        %dma_wait3A_1081 = arith.constant 0 : i32
        %dma_wait3A_1082 = tpu.memref_slice %arg4[%arg0, %dma_wait3A_1081] : memref<2x16xf32, #tpu.memory_space<hbm>> -> memref<1x16xf32, #tpu.memory_space<hbm>>
        %dma_wait3A_1083 = tpu.memref_squeeze %dma_wait3A_1082 : memref<1x16xf32, #tpu.memory_space<hbm>> -> memref<16xf32, #tpu.memory_space<hbm>>
        tpu.wait_dma2 semaphore(%run_scoped3A : memref<!tpu.dma_semaphore, #tpu.memory_space<semaphore_mem>>) src(%arg7 : memref<16xf32, #tpu.memory_space<vmem>>) dst(%dma_wait3A_1083 : memref<16xf32, #tpu.memory_space<hbm>>)
        tpu.yield
      }) : () -> ()
    } else {
    }
    return
  }
}

</mosaic_0001>

<sc_bundles>
// kernel: kernel.3.cloned.1.call-start
scs
__scs_entry_jumppad:
0x0: {  	(pc) =	sbr.rel $0x88, $3  }
0x1: {  	(tag) =	ssettag $0x0;
	lr =	simm.s32 $0x1  }
0x2: {  	[smem:$0x3F9F] =	sst lr;
	_ =	strace $0xD0000000  }
0x3: {  	_ = 	snop  }
0x4: {  	_ = 	snop  }
0x5: {  	_ = 	snop  }
0x6: {  	_ = 	snop  }
0x7: {  	_ = 	snop  }
__scs_overlays_trampoline_lowered:
0x8: {  	[smem:$0x3FAE] =	sst s0  }
0x9: {  	[smem:$0x3FAF] =	sst s1  }
0xa: {  	[smem:$0x3FB0] =	sst s2  }
0xb: {  	[smem:$0x3FB1] =	sst s3  }
0xc: {  	[smem:$0x3FB2] =	sst s4  }
0xd: {  	[smem:$0x3FB3] =	sst s5  }
0xe: {  	[smem:$0x3FB4] =	sst s6  }
0xf: {  	[smem:$0x3FB5] =	sst s7  }
0x10: {  	[smem:$0x3FB6] =	sst s8  }
0x11: {  	[smem:$0x3FB7] =	sst s9;
	s0 =	simm.s32 @!p0 $0x0  }
0x12: {  	s1 =	sld [smem:$0x3F9D];
	s0 =	simm.s32 @p0 $0x1  }
0x13: {  	[smem:$0x3FB8] =	sst s0;
	s0 =	simm.s32 @!p1 $0x0  }
0x14: {  	s2 =	sld [smem:$0x3F9C];
	s0 =	simm.s32 @p1 $0x1  }
0x15: {  	[smem:$0x3FB9] =	sst s0;
	s0 =	simm.s32 @!p2 $0x0  }
0x16: {  	s3 =	sld [smem:$0x3FDB];
	s0 =	simm.s32 @p2 $0x1  }
0x17: {  	s4 =	simm.s32 $0x1BF5;
	[smem:$0x3FBB] =	sst s0  }
0x18: {  	s0 =	sld [smem:$0x3F9E];
	_ =	swait.ge [sflag:s4], $0x0  }
0x19: {  	s7 =	sld [smem:$0x3F9F]  }
0x1a: {  	s8 =	sadd.s32 $0xFFFFE003, lr  }
0x1b: {  	s9 =	sadd.s32 $0xFFFFFEF7, lr;
	s5 =	simm.s32 $0xFFFFFFFF;
	p2 =	slt.u32 s8, $0xFFFFF086  }
0x1c: {  	p1 =	slt.u32 s9, $0xF7A;
	s5 =	simm.s32 @!p2 $0x0  }
0x1d: {  	s5 =	simm.s32 @p1 $0x1;
	p0 =	seq.s32 s7, s2  }
0x1e: {  	s7 =	smul.u32 @!p0 $0xF7A, s2;
	p2 =	seq.s32 @!p0 s5, $0x0  }
0x1f: {  	s9 =	smul.u32 $0xF7A, s1;
	s8 =	simm.s32 @!p0 $0x1BF5;
	p2 =	por !p2, p0  }
0x20: {  	[sflag:s8] =	ssyncset.s32 @!p0 $0xFFFFF086;
	s6 =	sadd.s32 @!p0 s3, s7;
	s7 =	simm.s32 @!p0 $0x108  }
0x21: {  	s3 =	sadd.s32 s3, s9;
	s6 =	sadd.s32 @!p0 $0x88, s6;
	s7 =	simm.s32 @p2 $0x1082  }
0x22: {  	[simem:s7], [sflag:s8] =	dma.local @!p0 [hbm:s6], $0xF7A  }
0x23: {  	s9 =	sor.u32 $0xD0000000, s2;
	s6 =	simm.s32 $0x108;
	_ =	swait.ge @!p0 [sflag:s8], $0x0  }
0x24: {  	s3 =	sadd.s32 $0x88, s3;
	s6 =	simm.s32 @!p1 $0x1082;
	[sflag:s4] =	ssyncset.s32 $0xFFFFF086  }
0x25: {  	[simem:s6], [sflag:s4] =	dma.local [hbm:s3], $0xF7A  }
0x26: {  	[smem:$0x3F9F] =	sst s1;
	(tag) =	ssettag s2;
	_ =	strace s9  }
0x27: {  	s1 =	sld [smem:$0x3FAF]  }
0x28: {  	s2 =	sld [smem:$0x3FB0]  }
0x29: {  	s4 =	sld [smem:$0x3FB2]  }
0x2a: {  	p0 =	seq.s32 s5, $0x0;
	s5 =	sld [smem:$0x3FB3]  }
0x2b: {  	s6 =	sld [smem:$0x3FB4]  }
0x2c: {  	s7 =	sld [smem:$0x3FB5]  }
0x2d: {  	s3 =	simm.s32 $0x108;
	s8 =	sld [smem:$0x3FB6]  }
0x2e: {  	s3 =	simm.s32 @!p0 $0x1082;
	s9 =	sld [smem:$0x3FB7]  }
0x2f: {  	lr =	sadd.s32 s0, s3;
	s0 =	sld [smem:$0x3FAE]  }
0x30: {  	s3 =	sld [smem:$0x3FB1]  }
0x31: {  	[smem:$0x3FBA] =	sst s10  }
0x32: {  	s10 =	sld [smem:$0x3FB8];
	_ =	sdelay $0x3  }
0x33: {  	p0 =	seq.s32 s10, $0x1;
	s10 =	sld [smem:$0x3FBA];
	_ =	sdelay $0x3  }
0x34: {  	[smem:$0x3FBA] =	sst s10  }
0x35: {  	s10 =	sld [smem:$0x3FB9];
	_ =	sdelay $0x3  }
0x36: {  	p1 =	seq.s32 s10, $0x1;
	s10 =	sld [smem:$0x3FBA];
	_ =	sdelay $0x3  }
0x37: {  	[smem:$0x3FBA] =	sst s10  }
0x38: {  	s10 =	sld [smem:$0x3FBB]  }
0x39: {  	_ = 	snop;
	(pc) =	sbr.ind lr, $3  }
0x3a: {  	_ = 	snop  }
0x3b: {  	_ = 	snop  }
0x3c: {  	p2 =	seq.s32 s10, $0x1;
	s10 =	sld [smem:$0x3FBA]  }
0x3d: {  	_ =	shalt  }
0x3e: {  	_ =	shalt  }
0x3f: {  	_ =	shalt  }
0x40: {  	_ =	shalt  }
0x41: {  	_ =	shalt  }
0x42: {  	_ =	shalt  }
0x43: {  	_ =	shalt  }
0x44: {  	_ =	shalt  }
0x45: {  	_ =	shalt  }
0x46: {  	_ =	shalt  }
0x47: {  	_ =	shalt  }
0x48: {  	_ =	shalt  }
0x49: {  	_ =	shalt  }
0x4a: {  	_ =	shalt  }
0x4b: {  	_ =	shalt  }
0x4c: {  	_ =	shalt  }
0x4d: {  	_ =	shalt  }
0x4e: {  	_ =	shalt  }
0x4f: {  	_ =	shalt  }
0x50: {  	_ =	shalt  }
0x51: {  	_ =	shalt  }
0x52: {  	_ =	shalt  }
0x53: {  	_ =	shalt  }
0x54: {  	_ =	shalt  }
0x55: {  	_ =	shalt  }
0x56: {  	_ =	shalt  }
0x57: {  	_ =	shalt  }
0x58: {  	_ =	shalt  }
0x59: {  	_ =	shalt  }
0x5a: {  	_ =	shalt  }
0x5b: {  	_ =	shalt  }
0x5c: {  	_ =	shalt  }
0x5d: {  	_ =	shalt  }
0x5e: {  	_ =	shalt  }
0x5f: {  	_ =	shalt  }
0x60: {  	_ =	shalt  }
0x61: {  	_ =	shalt  }
0x62: {  	_ =	shalt  }
0x63: {  	_ =	shalt  }
0x64: {  	_ =	shalt  }
0x65: {  	_ =	shalt  }
0x66: {  	_ =	shalt  }
0x67: {  	_ =	shalt  }
0x68: {  	_ =	shalt  }
0x69: {  	_ =	shalt  }
0x6a: {  	_ =	shalt  }
0x6b: {  	_ =	shalt  }
0x6c: {  	_ =	shalt  }
0x6d: {  	_ =	shalt  }
0x6e: {  	_ =	shalt  }
0x6f: {  	_ =	shalt  }
0x70: {  	_ =	shalt  }
0x71: {  	_ =	shalt  }
0x72: {  	_ =	shalt  }
0x73: {  	_ =	shalt  }
0x74: {  	_ =	shalt  }
0x75: {  	_ =	shalt  }
0x76: {  	_ =	shalt  }
0x77: {  	_ =	shalt  }
0x78: {  	_ =	shalt  }
0x79: {  	_ =	shalt  }
0x7a: {  	_ =	shalt  }
0x7b: {  	_ =	shalt  }
0x7c: {  	_ =	shalt  }
0x7d: {  	_ =	shalt  }
0x7e: {  	_ =	shalt  }
0x7f: {  	_ =	shalt  }
0x80: {  	_ =	shalt  }
0x81: {  	_ =	shalt  }
0x82: {  	_ =	shalt  }
0x83: {  	_ =	shalt  }
0x84: {  	_ =	shalt  }
0x85: {  	_ =	shalt  }
0x86: {  	_ =	shalt  }
0x87: {  	_ =	shalt  }
.Lfunc_end0:
.L_simem_size_0:
called_computation_lowered:
.L_overlay_start_0:
0x88: {  	s2 =	sld [smem:$0x3FD9]  }
0x89: {  	s3 =	sld [smem:$0x3FFE];
	_ =	sdelay $0x1  }
0x8a: {  	s1 =	srdreg.scid  }
0x8b: {  	s0 =	sand.u32 $0x1, s1  }
0x8c: {  	s17 =	sshll.u32 s0, $0xA;
	s2 =	sadd.s32 s3, s2  }
0x8d: {  	s2 =	sadd.s32 s2, s17  }
0x8e: {  	[smem:$0x3FC6] =	sst s2  }
0x8f: {  	_ = 	snop  }
0x90: {  	s2 =	sld [smem:$0x3FC9]  }
0x91: {  	s18 =	sld [smem:$0x3FC8];
	(tm) =	ssettm $0x1  }
0x92: {  	s4 =	sld [smem:$0x3FFB];
	_ =	sdelay $0x3  }
0x93: {  	_ =	strace s4  }
0x94: {  	s4 =	sld [smem:$0x3FFC];
	_ =	sdelay $0x3  }
0x95: {  	_ =	strace s4  }
0x96: {  	s4 =	sld [smem:$0x3FFD];
	_ =	sdelay $0x3  }
0x97: {  	_ =	strace s4  }
0x98: {  	_ =	strace $0x8FFFFFFF  }
0x99: {  	s19 =	sld [smem:$0x3FDB];
	_ =	sdelay $0x1  }
0x9a: {  	s5 =	simm.s32 $_scs_section_size  }
0x9b: {  	s6 =	simm.s32 $_size__tile_overlayer_lowered;
	s7 =	simm.s32 $_tile_overlayer_lowered  }
0x9c: {  	s22 =	simm.s32 $0x1BFF;
	s21 =	sshll.u32 s7, $0x1;
	s4 =	sadd.s32 s5, s19  }
0x9d: {  	s8 =	simm.s32 $0x0;
	s20 =	sshll.u32 s6, $0x1;
	s6 =	sadd.s32 s21, s4  }
0x9e: {  	[timem:s8], [sflag:s22] =	dma.local [hbm:s6], s20  }
0x9f: {  	_ =	swait.ge [sflag:s22], s20  }
0xa0: {  	s5 =	ssub.s32 $0x0, s20;
	[sflag:s22] =	ssyncset.done $0x0  }
0xa1: {  	[sflag:s22] =	ssyncadd.s32 s5;
	_ =	sdelay $0x1  }
0xa2: {  	s23 =	simm.s32 $0x1B8B  }
0xa3: {  	_ =	swait.ge [sflag:s23], $0x1  }
0xa4: {  	[sflag:s23] =	ssyncset.done $0x0  }
0xa5: {  	s25 =	simm.s32 $0x1B8E;
	s24 =	sld [smem:$0x3FFE];
	[sflag:s23] =	ssyncadd.s32 $0xFFFFFFFF  }
0xa6: {  	s26 =	simm.s32 $execute0_lowered;
	[smem:$0x3FD2] =	sst s25  }
0xa7: {  	s6 =	sshll.u32 s26, $0x1;
	_ =	strace $0x80000046;
	[dreg:$0x1] =	wrdreg $0xFFFFFFFF  }
0xa8: {  	s28 =	simm.s32 $_size_execute0_lowered;
	s4 =	sadd.s32 s4, s6;
	[dreg:$0x0] =	wrdreg $0x0  }
0xa9: {  	s6 =	sshll.u32 s28, $0x1;
	[dreg:$0x2] =	wrdreg s4  }
0xaa: {  	[dreg:$0x3] =	wrdreg s6  }
0xab: {  	[dreg:$0x4] =	wrdreg $0xC0  }
0xac: {  	_ =	task [dreg:s8], $0x5FFFF  }
0xad: {  	[dreg:$0x1] =	wrdreg $0xFFFFFFFF  }
0xae: {  	[dreg:$0x0] =	wrdreg $0x60  }
0xaf: {  	[dreg:$0x2] =	wrdreg s2  }
0xb0: {  	[dreg:$0x3] =	wrdreg s18  }
0xb1: {  	[dreg:$0x4] =	wrdreg s24  }
0xb2: {  	[dreg:$0x5] =	wrdreg $0x82000  }
0xb3: {  	[dreg:$0x6] =	wrdreg $0x9  }
0xb4: {  	_ =	task.clear_ibuf [dreg:s8], $0x7FFFF;
	_ =	strace $0x90000046  }
0xb5: {  	s29 =	simm.s32 $0x9;
	_ =	strace $0x80000048  }
0xb6: {  	_ =	swait.ge [sflag:s29], $0x1  }
0xb7: {  	[sflag:s29] =	ssyncadd.s32 $0xFFFFFFFF  }
0xb8: {  	_ =	strace $0x90000048  }
0xb9: {  	_ =	sfence  }
0xba: {  	s30 =	sld [smem:$0x0];
	_ =	sdelay $0x2  }
0xbb: {  	s31 =	sshll.u32 s1, $0xD;
	s1 =	sshrl.u32 s1, $0x2  }
0xbc: {  	s3 =	sand.u32 $0x4000, s31;
	s1 =	sadd.s32 s1, s30  }
0xbd: {  	s0 =	sor.u32 s3, s0;
	s1 =	sshll.u32 s1, $0x11  }
0xbe: {  	s0 =	sor.u32 s1, s0  }
0xbf: {  	s0 =	sadd.s32 $0x8F2B, s0  }
0xc0: {  	[sflag:s0] =	ssyncadd.remote.s32 $0x1  }
0xc1: {  	_ =	sfence.sel $0xFFFF  }
0xc2: {  	[dreg:$0x0] =	wrdreg $0xFFFFFFFF;
	(pc) =	sbr.abs _section_cstart, $3  }
0xc3: {  	[dreg:$0x1] =	wrdreg $0xFFFFFFFF  }
0xc4: {  	_ =	task.clear_ibuf [dreg:s8], $0x2FFFF;
	_ =	strace $0x9FFFFFFF  }
0xc5: {  	(tm) =	ssettm $0x7FFFFFFF  }
tec
execute0_lowered:
.L_overlay_start_1:
0x0: {  	(tag) =	ssettag $0x1  }
0x1: {  	s1 =	rddreg [dreg:$0x0]  }
0x2: {  	s4 =	rddreg [dreg:$0x1]  }
0x3: {  	s5 =	rddreg [dreg:$0x2]  }
0x4: {  	s2 =	rddreg [dreg:$0x3];
	s3 =	simm.s32 $0x0  }
0x5: {  	s11 =	simm.s32 $0x480;
	[smem:$0x7FF] =	sst s3  }
0x6: {  	s12 =	simm.s32 $0x880;
	_ =	strace $0x80000047;
	[dreg:$0x8] =	wrdreg s11  }
0x7: {  	s13 =	simm.s32 $0xC80;
	[dreg:$0x9] =	wrdreg s12  }
0x8: {  	s14 =	simm.s32 $0x1080;
	[dreg:$0xa] =	wrdreg s13  }
0x9: {  	s15 =	simm.s32 $0x1480;
	[dreg:$0xb] =	wrdreg s14  }
0xa: {  	s16 =	simm.s32 $0x1880;
	[dreg:$0xc] =	wrdreg s15  }
0xb: {  	s17 =	simm.s32 $0x1C80;
	[dreg:$0xd] =	wrdreg s16  }
0xc: {  	s18 =	simm.s32 $0x2080;
	[dreg:$0xe] =	wrdreg s17  }
0xd: {  	s19 =	simm.s32 $0x2480;
	[dreg:$0xf] =	wrdreg s18  }
0xe: {  	s20 =	simm.s32 $0x2880;
	[dreg:$0x10] =	wrdreg s19  }
0xf: {  	s21 =	simm.s32 $0x2C80;
	[dreg:$0x11] =	wrdreg s20  }
0x10: {  	s22 =	simm.s32 $0x3080;
	[dreg:$0x12] =	wrdreg s21  }
0x11: {  	s23 =	simm.s32 $0x3480;
	[dreg:$0x13] =	wrdreg s22  }
0x12: {  	s24 =	simm.s32 $0x3880;
	[dreg:$0x14] =	wrdreg s23  }
0x13: {  	s25 =	simm.s32 $0x3C80;
	[dreg:$0x15] =	wrdreg s24  }
0x14: {  	s26 =	simm.s32 $0x4080;
	[dreg:$0x16] =	wrdreg s25  }
0x15: {  	s8 =	stileid.u32;
	s28 =	simm.s32 $0x4480;
	[dreg:$0x17] =	wrdreg s26  }
0x16: {  	s29 =	simm.s32 $0x4880;
	s30 =	sshll.u32 s8, $0x4;
	[dreg:$0x18] =	wrdreg s28  }
0x17: {  	s31 =	sadd.s32 s30, s2;
	[dreg:$0x19] =	wrdreg s29  }
0x18: {  	s30 =	simm.s32 $0x4C80;
	[dreg:$0x6] =	wrdreg s31  }
0x19: {  	s11 =	simm.s32 $0x6480;
	[dreg:$0x1a] =	wrdreg s30  }
0x1a: {  	s12 =	simm.s32 $0x6880;
	[smem:$0x7F6] =	sst s11  }
0x1b: {  	s13 =	simm.s32 $0x6C80;
	[smem:$0x7F7] =	sst s12  }
0x1c: {  	s0 =	srdreg.scid;
	s14 =	simm.s32 $0x7080;
	[smem:$0x7F8] =	sst s13  }
0x1d: {  	s10 =	sand.u32 $0x1, s0;
	s15 =	simm.s32 $0x7480;
	[smem:$0x7F9] =	sst s14  }
0x1e: {  	s7 =	sshll.u32 s8, $0x5;
	s16 =	simm.s32 $0x7880;
	[smem:$0x7FA] =	sst s15  }
0x1f: {  	s6 =	sshll.u32 s10, $0x9;
	s17 =	simm.s32 $0x7C80;
	[smem:$0x7FB] =	sst s16  }
0x20: {  	s0 =	sshll.u32 s10, $0x4;
	s19 =	simm.s32 $0x8080;
	[smem:$0x7FC] =	sst s17  }
0x21: {  	s9 =	sor.u32 s7, s6;
	s7 =	sadd.s32 s5, s0;
	[smem:$0x7FD] =	sst s19  }
0x22: {  	s31 =	simm.s32 $0x5080;
	[dreg:$0x7] =	wrdreg s7  }
0x23: {  	s0 =	simm.s32 $0x5480;
	[dreg:$0x1b] =	wrdreg s31  }
0x24: {  	s5 =	simm.s32 $0x5880;
	[dreg:$0x1c] =	wrdreg s0  }
0x25: {  	s6 =	sshrl.u32 s9, $0x3;
	[dreg:$0x1d] =	wrdreg s5;
	s7 =	simm.s32 $0x6080  }
0x26: {  	s4 =	sadd.s32 s4, s6;
	[dreg:$0x1f] =	wrdreg s7  }
0x27: {  	s6 =	simm.s32 $0x5C80;
	[dreg:$0x5] =	wrdreg s4  }
0x28: {  	[dreg:$0x1e] =	wrdreg s6  }
0x29: {  	s4 =	simm.s32 $0x2;
	s18 =	rddreg [dreg:$0x5]  }
0x2a: {  	[tilespmem:s3], [sflag:$0x2] =	stream.linear.gather [hbm4b:s18+s3], $0x20, $0x38;
	[tilespmem:$0x8210] =	vst v63  }
0x2b: {  	_ =	swait.ge [sflag:s4], $0x20  }
0x2c: {  	[sflag:s4] =	ssyncset.done $0x0  }
0x2d: {  	[sflag:s4] =	ssyncadd.s32 $0xFFFFFFE0  }
0x2e: {  	v0 =	vld [tilespmem:$0x0];
	_ =	sdelay $0x4  }
0x2f: {  	v0 =	vshll.u32 v0, $0xA  }
0x30: {  	(v2sf) =	vpush v0, $0x0;
	_ =	sdelay $0x1  }
0x31: {  	(v2sf) =	vpush v0, $0x1  }
0x32: {  	(v2sf) =	vpush v0, $0x2  }
0x33: {  	(v2sf) =	vpush v0, $0x3;
	_ =	sdelay $0x1  }
0x34: {  	(v2sf) =	vpush v0, $0x4;
	_ =	sdelay $0x3  }
0x35: {  	s20 =	sand.u32 $0x3, s8;
	(v2sf) =	vpush v0, $0x5  }
0x36: {  	p1 =	sne.s32 s20, $0x0;
	p0 =	seq.s32 s9, $0x0  }
0x37: {  	s5 =	simm.s32 $0x1;
	p0 =	por !p1, !p0;
	s22 =	rddreg [dreg:$0x9]  }
0x38: {  	s21 =	sshrl.u32 s9, $0x7;
	p0 =	por !p0, !p0;
	s13 =	rddreg [dreg:$0x8]  }
0x39: {  	s6 =	simm.s32 $0x80;
	s5 =	simm.s32 @!p0 $0x0;
	s26 =	rddreg [dreg:$0xb]  }
0x3a: {  	s11 =	ssub.s32 s21, s5;
	s30 =	rddreg [dreg:$0xa];
	(v2sf) =	vpush v0, $0x6;
	s12 =	spop (v2sf)  }
0x3b: {  	s5 =	sshll.u32 s11, $0xA;
	s16 =	rddreg [dreg:$0xc];
	s12 =	sand.u32 $0x7FFFE000, s12  }
0x3c: {  	s19 =	rddreg [dreg:$0xe];
	s14 =	spop (v2sf);
	s12 =	sadd.s32 s5, s12  }
0x3d: {  	s14 =	sand.u32 $0x7FFFE000, s14;
	s15 =	spop (v2sf);
	s12 =	sshrl.u32 s12, $0x3  }
0x3e: {  	(v2sf) =	vpush v0, $0x7;
	s14 =	sadd.s32 s5, s14;
	s15 =	sand.u32 $0x7FFFE000, s15;
	s25 =	spop (v2sf)  }
0x3f: {  	s12 =	sadd.s32 s1, s12;
	s14 =	sshrl.u32 s14, $0x3;
	s15 =	sadd.s32 s5, s15  }
0x40: {  	(v2sf) =	vpush v0, $0x8;
	s29 =	sand.u32 $0x7FFFE000, s25;
	s31 =	spop (v2sf);
	s25 =	rddreg [dreg:$0xf]  }
0x41: {  	[tilespmem:s6], [sflag:$0x1] =	stream.linear.gather [hbm4b:s12+s3], $0x400, $0x38;
	[tilespmem:$0x8210] =	vst v63  }
0x42: {  	(v2sf) =	vpush v0, $0x9;
	s23 =	sadd.s32 s1, s14;
	s24 =	sshrl.u32 s15, $0x3;
	s14 =	sadd.s32 s5, s29  }
0x43: {  	(v2sf) =	vpush v0, $0xA;
	[tilespmem:s13], [sflag:$0x1] =	stream.linear.gather [hbm4b:s23+s3], $0x400, $0x38;
	[tilespmem:$0x8210] =	vst v63  }
0x44: {  	(v2sf) =	vpush v0, $0xB;
	s0 =	spop (v2sf);
	s28 =	sadd.s32 s1, s24;
	s13 =	sand.u32 $0x7FFFE000, s31  }
0x45: {  	s14 =	sshrl.u32 s14, $0x3;
	s15 =	sand.u32 $0x7FFFE000, s0;
	s13 =	sadd.s32 s5, s13  }
0x46: {  	[tilespmem:s22], [sflag:$0x1] =	stream.linear.gather [hbm4b:s28+s3], $0x400, $0x38;
	[tilespmem:$0x8210] =	vst v63  }
0x47: {  	(v2sf) =	vpush v0, $0xC;
	s14 =	sadd.s32 s1, s14;
	s17 =	sadd.s32 s5, s15;
	s13 =	sshrl.u32 s13, $0x3  }
0x48: {  	[tilespmem:s30], [sflag:$0x1] =	stream.linear.gather [hbm4b:s14+s3], $0x400, $0x38;
	[tilespmem:$0x8210] =	vst v63  }
0x49: {  	s18 =	spop (v2sf);
	s13 =	sadd.s32 s1, s13;
	s14 =	sshrl.u32 s17, $0x3  }
0x4a: {  	[tilespmem:s26], [sflag:$0x1] =	stream.linear.gather [hbm4b:s13+s3], $0x400, $0x38;
	[tilespmem:$0x8210] =	vst v63  }
0x4b: {  	s29 =	rddreg [dreg:$0x11];
	s21 =	sand.u32 $0x7FFFE000, s18;
	s20 =	sadd.s32 s1, s14  }
0x4c: {  	[tilespmem:s16], [sflag:$0x1] =	stream.linear.gather [hbm4b:s20+s3], $0x400, $0x38;
	[tilespmem:$0x8210] =	vst v63  }
0x4d: {  	s0 =	rddreg [dreg:$0x10];
	s14 =	sadd.s32 s5, s21;
	s23 =	spop (v2sf)  }
0x4e: {  	s22 =	rddreg [dreg:$0xd];
	s14 =	sshrl.u32 s14, $0x3;
	s13 =	sand.u32 $0x7FFFE000, s23  }
0x4f: {  	s14 =	sadd.s32 s1, s14;
	s24 =	spop (v2sf);
	s13 =	sadd.s32 s5, s13  }
0x50: {  	(v2sf) =	vpush v0, $0xD;
	[tilespmem:s22], [sflag:$0x1] =	stream.linear.gather [hbm4b:s14+s3], $0x400, $0x38;
	[tilespmem:$0x8210] =	vst v63  }
0x51: {  	s15 =	sand.u32 $0x7FFFE000, s24;
	s28 =	spop (v2sf);
	s13 =	sshrl.u32 s13, $0x3  }
0x52: {  	(v2sf) =	vpush v0, $0xE;
	s26 =	sadd.s32 s5, s15;
	s31 =	sand.u32 $0x7FFFE000, s28;
	s16 =	spop (v2sf)  }
0x53: {  	(v2sf) =	vpush v0, $0xF;
	s13 =	sadd.s32 s1, s13;
	s14 =	sshrl.u32 s26, $0x3;
	s17 =	spop (v2sf)  }
0x54: {  	[tilespmem:s19], [sflag:$0x1] =	stream.linear.gather [hbm4b:s13+s3], $0x400, $0x38;
	[tilespmem:$0x8210] =	vst v63  }
0x55: {  	s30 =	sadd.s32 s1, s14;
	s14 =	sadd.s32 s5, s31;
	s13 =	sand.u32 $0x7FFFE000, s16  }
0x56: {  	s15 =	sand.u32 $0x7FFFE000, s17;
	s20 =	spop (v2sf);
	s14 =	sshrl.u32 s14, $0x3  }
0x57: {  	[tilespmem:s25], [sflag:$0x1] =	stream.linear.gather [hbm4b:s30+s3], $0x400, $0x38;
	[tilespmem:$0x8210] =	vst v63  }
0x58: {  	s13 =	sadd.s32 s5, s13;
	s19 =	sadd.s32 s5, s15;
	s14 =	sadd.s32 s1, s14  }
0x59: {  	[tilespmem:s0], [sflag:$0x1] =	stream.linear.gather [hbm4b:s14+s3], $0x400, $0x38;
	[tilespmem:$0x8210] =	vst v63  }
0x5a: {  	s23 =	sand.u32 $0x7FFFE000, s20;
	s13 =	sshrl.u32 s13, $0x3;
	s14 =	sshrl.u32 s19, $0x3  }
0x5b: {  	s13 =	sadd.s32 s1, s13;
	s22 =	sadd.s32 s1, s14;
	s14 =	sadd.s32 s5, s23  }
0x5c: {  	[tilespmem:s29], [sflag:$0x1] =	stream.linear.gather [hbm4b:s13+s3], $0x400, $0x38;
	[tilespmem:$0x8210] =	vst v63  }
0x5d: {  	s18 =	rddreg [dreg:$0x12];
	s14 =	sshrl.u32 s14, $0x3  }
0x5e: {  	[tilespmem:s18], [sflag:$0x1] =	stream.linear.gather [hbm4b:s22+s3], $0x400, $0x38;
	[tilespmem:$0x8210] =	vst v63  }
0x5f: {  	s24 =	rddreg [dreg:$0x13];
	s14 =	sadd.s32 s1, s14;
	s25 =	spop (v2sf)  }
0x60: {  	[tilespmem:s24], [sflag:$0x1] =	stream.linear.gather [hbm4b:s14+s3], $0x400, $0x38;
	[tilespmem:$0x8210] =	vst v63  }
0x61: {  	s21 =	rddreg [dreg:$0x14];
	s13 =	sand.u32 $0x7FFFE000, s25;
	s26 =	spop (v2sf)  }
0x62: {  	s13 =	sadd.s32 s5, s13;
	s15 =	sand.u32 $0x7FFFE000, s26;
	s30 =	spop (v2sf)  }
0x63: {  	s13 =	sshrl.u32 s13, $0x3;
	s29 =	sadd.s32 s5, s15;
	s0 =	sand.u32 $0x7FFFE000, s30  }
0x64: {  	s13 =	sadd.s32 s1, s13;
	s14 =	sshrl.u32 s29, $0x3;
	s12 =	sadd.s32 s5, s0  }
0x65: {  	[tilespmem:s21], [sflag:$0x1] =	stream.linear.gather [hbm4b:s13+s3], $0x400, $0x38;
	[tilespmem:$0x8210] =	vst v63  }
0x66: {  	s28 =	rddreg [dreg:$0x15];
	s31 =	sadd.s32 s1, s14;
	s7 =	sshrl.u32 s12, $0x3  }
0x67: {  	[tilespmem:s28], [sflag:$0x1] =	stream.linear.gather [hbm4b:s31+s3], $0x400, $0x38;
	[tilespmem:$0x8210] =	vst v63  }
0x68: {  	s13 =	rddreg [dreg:$0x16];
	s7 =	sadd.s32 s1, s7  }
0x69: {  	[tilespmem:s13], [sflag:$0x1] =	stream.linear.gather [hbm4b:s7+s3], $0x400, $0x38;
	[tilespmem:$0x8210] =	vst v63  }
0x6a: {  	v0 =	vld [tilespmem:$0x10];
	_ =	sdelay $0x4  }
0x6b: {  	v0 =	vshll.u32 v0, $0xA  }
0x6c: {  	(v2sf) =	vpush v0, $0x3  }
0x6d: {  	(v2sf) =	vpush v0, $0x0;
	_ =	sdelay $0x1  }
0x6e: {  	(v2sf) =	vpush v0, $0x4  }
0x6f: {  	(v2sf) =	vpush v0, $0x2  }
0x70: {  	(v2sf) =	vpush v0, $0x1;
	_ =	sdelay $0x9  }
0x71: {  	s14 =	spop (v2sf)  }
0x72: {  	s15 =	spop (v2sf)  }
0x73: {  	s12 =	sand.u32 $0x7FFFE000, s15  }
0x74: {  	s17 =	spop (v2sf);
	s12 =	sadd.s32 s5, s12  }
0x75: {  	s18 =	spop (v2sf);
	s12 =	sshrl.u32 s12, $0x3  }
0x76: {  	s16 =	rddreg [dreg:$0x17];
	(v2sf) =	vpush v0, $0x5;
	s19 =	spop (v2sf);
	s12 =	sadd.s32 s1, s12  }
0x77: {  	[tilespmem:s16], [sflag:$0x1] =	stream.linear.gather [hbm4b:s12+s3], $0x400, $0x38;
	[tilespmem:$0x8210] =	vst v63  }
0x78: {  	s12 =	sand.u32 $0x7FFFE000, s19  }
0x79: {  	s12 =	sadd.s32 s5, s12  }
0x7a: {  	s12 =	sshrl.u32 s12, $0x3  }
0x7b: {  	s20 =	rddreg [dreg:$0x18];
	(v2sf) =	vpush v0, $0x6;
	s21 =	sand.u32 $0x7FFFE000, s18;
	s12 =	sadd.s32 s1, s12  }
0x7c: {  	[tilespmem:s20], [sflag:$0x1] =	stream.linear.gather [hbm4b:s12+s3], $0x400, $0x38;
	[tilespmem:$0x8210] =	vst v63  }
0x7d: {  	s7 =	sand.u32 $0x7FFFE000, s14;
	s12 =	sadd.s32 s5, s21  }
0x7e: {  	s7 =	sadd.s32 s5, s7;
	s12 =	sshrl.u32 s12, $0x3  }
0x7f: {  	s22 =	rddreg [dreg:$0x19];
	s7 =	sshrl.u32 s7, $0x3;
	s12 =	sadd.s32 s1, s12  }
0x80: {  	(v2sf) =	vpush v0, $0x7;
	[tilespmem:s22], [sflag:$0x1] =	stream.linear.gather [hbm4b:s12+s3], $0x400, $0x38;
	[tilespmem:$0x8210] =	vst v63  }
0x81: {  	s23 =	rddreg [dreg:$0x1a];
	s24 =	sand.u32 $0x7FFFE000, s17;
	s7 =	sadd.s32 s1, s7  }
0x82: {  	[tilespmem:s23], [sflag:$0x1] =	stream.linear.gather [hbm4b:s7+s3], $0x400, $0x38;
	[tilespmem:$0x8210] =	vst v63  }
0x83: {  	s7 =	sadd.s32 s5, s24  }
0x84: {  	s7 =	sshrl.u32 s7, $0x3  }
0x85: {  	s25 =	rddreg [dreg:$0x1b];
	s26 =	spop (v2sf);
	s7 =	sadd.s32 s1, s7  }
0x86: {  	[tilespmem:s25], [sflag:$0x1] =	stream.linear.gather [hbm4b:s7+s3], $0x400, $0x38;
	[tilespmem:$0x8210] =	vst v63  }
0x87: {  	(v2sf) =	vpush v0, $0x8;
	s7 =	sand.u32 $0x7FFFE000, s26  }
0x88: {  	s7 =	sadd.s32 s5, s7  }
0x89: {  	s7 =	sshrl.u32 s7, $0x3  }
0x8a: {  	s28 =	rddreg [dreg:$0x1c];
	s29 =	spop (v2sf);
	s7 =	sadd.s32 s1, s7  }
0x8b: {  	(v2sf) =	vpush v0, $0x9;
	[tilespmem:s28], [sflag:$0x1] =	stream.linear.gather [hbm4b:s7+s3], $0x400, $0x38;
	[tilespmem:$0x8210] =	vst v63  }
0x8c: {  	s7 =	sand.u32 $0x7FFFE000, s29  }
0x8d: {  	s7 =	sadd.s32 s5, s7  }
0x8e: {  	s7 =	sshrl.u32 s7, $0x3  }
0x8f: {  	s30 =	rddreg [dreg:$0x1d];
	s31 =	spop (v2sf);
	s7 =	sadd.s32 s1, s7  }
0x90: {  	(v2sf) =	vpush v0, $0xA;
	[tilespmem:s30], [sflag:$0x1] =	stream.linear.gather [hbm4b:s7+s3], $0x400, $0x38;
	[tilespmem:$0x8210] =	vst v63  }
0x91: {  	s7 =	sand.u32 $0x7FFFE000, s31  }
0x92: {  	s7 =	sadd.s32 s5, s7  }
0x93: {  	s7 =	sshrl.u32 s7, $0x3  }
0x94: {  	s0 =	rddreg [dreg:$0x1e];
	s7 =	sadd.s32 s1, s7  }
0x95: {  	[tilespmem:s0], [sflag:$0x1] =	stream.linear.gather [hbm4b:s7+s3], $0x400, $0x38;
	[tilespmem:$0x8210] =	vst v63  }
0x96: {  	s12 =	spop (v2sf)  }
0x97: {  	(v2sf) =	vpush v0, $0xB;
	s7 =	sand.u32 $0x7FFFE000, s12  }
0x98: {  	s7 =	sadd.s32 s5, s7  }
0x99: {  	s7 =	sshrl.u32 s7, $0x3  }
0x9a: {  	s13 =	rddreg [dreg:$0x1f];
	s14 =	spop (v2sf);
	s7 =	sadd.s32 s1, s7  }
0x9b: {  	(v2sf) =	vpush v0, $0xC;
	[tilespmem:s13], [sflag:$0x1] =	stream.linear.gather [hbm4b:s7+s3], $0x400, $0x38;
	[tilespmem:$0x8210] =	vst v63  }
0x9c: {  	s7 =	sand.u32 $0x7FFFE000, s14  }
0x9d: {  	s15 =	sld [smem:$0x7F6];
	s7 =	sadd.s32 s5, s7  }
0x9e: {  	s7 =	sshrl.u32 s7, $0x3  }
0x9f: {  	s16 =	spop (v2sf);
	s7 =	sadd.s32 s1, s7  }
0xa0: {  	(v2sf) =	vpush v0, $0xD;
	[tilespmem:s15], [sflag:$0x1] =	stream.linear.gather [hbm4b:s7+s3], $0x400, $0x38;
	[tilespmem:$0x8210] =	vst v63  }
0xa1: {  	s7 =	sand.u32 $0x7FFFE000, s16  }
0xa2: {  	s17 =	sld [smem:$0x7F7];
	s7 =	sadd.s32 s5, s7  }
0xa3: {  	s7 =	sshrl.u32 s7, $0x3  }
0xa4: {  	s7 =	sadd.s32 s1, s7  }
0xa5: {  	[tilespmem:s17], [sflag:$0x1] =	stream.linear.gather [hbm4b:s7+s3], $0x400, $0x38;
	[tilespmem:$0x8210] =	vst v63  }
0xa6: {  	s18 =	spop (v2sf)  }
0xa7: {  	(v2sf) =	vpush v0, $0xE;
	s7 =	sand.u32 $0x7FFFE000, s18  }
0xa8: {  	s19 =	sld [smem:$0x7F8];
	s7 =	sadd.s32 s5, s7  }
0xa9: {  	s7 =	sshrl.u32 s7, $0x3  }
0xaa: {  	s20 =	spop (v2sf);
	s7 =	sadd.s32 s1, s7  }
0xab: {  	(v2sf) =	vpush v0, $0xF;
	[tilespmem:s19], [sflag:$0x1] =	stream.linear.gather [hbm4b:s7+s3], $0x400, $0x38;
	[tilespmem:$0x8210] =	vst v63  }
0xac: {  	s7 =	sand.u32 $0x7FFFE000, s20  }
0xad: {  	s21 =	sld [smem:$0x7F9];
	s7 =	sadd.s32 s5, s7  }
0xae: {  	s7 =	sshrl.u32 s7, $0x3  }
0xaf: {  	s22 =	spop (v2sf);
	s7 =	sadd.s32 s1, s7  }
0xb0: {  	[tilespmem:s21], [sflag:$0x1] =	stream.linear.gather [hbm4b:s7+s3], $0x400, $0x38;
	[tilespmem:$0x8210] =	vst v63  }
0xb1: {  	s7 =	sand.u32 $0x7FFFE000, s22  }
0xb2: {  	s23 =	sld [smem:$0x7FA];
	s7 =	sadd.s32 s5, s7  }
0xb3: {  	s7 =	sshrl.u32 s7, $0x3  }
0xb4: {  	s7 =	sadd.s32 s1, s7  }
0xb5: {  	[tilespmem:s23], [sflag:$0x1] =	stream.linear.gather [hbm4b:s7+s3], $0x400, $0x38;
	[tilespmem:$0x8210] =	vst v63  }
0xb6: {  	s24 =	spop (v2sf)  }
0xb7: {  	s7 =	sand.u32 $0x7FFFE000, s24  }
0xb8: {  	s25 =	sld [smem:$0x7FB];
	s7 =	sadd.s32 s5, s7  }
0xb9: {  	s7 =	sshrl.u32 s7, $0x3  }
0xba: {  	s26 =	spop (v2sf);
	s7 =	sadd.s32 s1, s7  }
0xbb: {  	[tilespmem:s25], [sflag:$0x1] =	stream.linear.gather [hbm4b:s7+s3], $0x400, $0x38;
	[tilespmem:$0x8210] =	vst v63  }
0xbc: {  	s7 =	sand.u32 $0x7FFFE000, s26  }
0xbd: {  	s28 =	sld [smem:$0x7FC];
	s7 =	sadd.s32 s5, s7  }
0xbe: {  	s7 =	sshrl.u32 s7, $0x3  }
0xbf: {  	s7 =	sadd.s32 s1, s7  }
0xc0: {  	[tilespmem:s28], [sflag:$0x1] =	stream.linear.gather [hbm4b:s7+s3], $0x400, $0x38;
	[tilespmem:$0x8210] =	vst v63  }
0xc1: {  	s7 =	simm.s32 $0x1  }
0xc2: {  	_ =	swait.ge [sflag:s7], $0x400  }
0xc3: {  	[sflag:s7] =	ssyncset.done $0x0  }
0xc4: {  	[sflag:s7] =	ssyncadd.s32 $0xFFFFFC00  }
0xc5: {  	_ =	swait.ge [sflag:s7], $0x400  }
0xc6: {  	[sflag:s7] =	ssyncset.done $0x0  }
0xc7: {  	[sflag:s7] =	ssyncadd.s32 $0xFFFFFC00  }
0xc8: {  	_ =	swait.ge [sflag:s7], $0x400  }
0xc9: {  	[sflag:s7] =	ssyncset.done $0x0  }
0xca: {  	[sflag:s7] =	ssyncadd.s32 $0xFFFFFC00  }
0xcb: {  	_ =	swait.ge [sflag:s7], $0x400  }
0xcc: {  	[sflag:s7] =	ssyncset.done $0x0  }
0xcd: {  	[sflag:s7] =	ssyncadd.s32 $0xFFFFFC00  }
0xce: {  	_ =	swait.ge [sflag:s7], $0x400  }
0xcf: {  	[sflag:s7] =	ssyncset.done $0x0  }
0xd0: {  	[sflag:s7] =	ssyncadd.s32 $0xFFFFFC00  }
0xd1: {  	_ =	swait.ge [sflag:s7], $0x400  }
0xd2: {  	[sflag:s7] =	ssyncset.done $0x0  }
0xd3: {  	[sflag:s7] =	ssyncadd.s32 $0xFFFFFC00  }
0xd4: {  	_ =	swait.ge [sflag:s7], $0x400  }
0xd5: {  	[sflag:s7] =	ssyncset.done $0x0  }
0xd6: {  	[sflag:s7] =	ssyncadd.s32 $0xFFFFFC00  }
0xd7: {  	_ =	swait.ge [sflag:s7], $0x400  }
0xd8: {  	[sflag:s7] =	ssyncset.done $0x0  }
0xd9: {  	[sflag:s7] =	ssyncadd.s32 $0xFFFFFC00  }
0xda: {  	_ =	swait.ge [sflag:s7], $0x400  }
0xdb: {  	[sflag:s7] =	ssyncset.done $0x0  }
0xdc: {  	[sflag:s7] =	ssyncadd.s32 $0xFFFFFC00  }
0xdd: {  	_ =	swait.ge [sflag:s7], $0x400  }
0xde: {  	[sflag:s7] =	ssyncset.done $0x0  }
0xdf: {  	[sflag:s7] =	ssyncadd.s32 $0xFFFFFC00  }
0xe0: {  	_ =	swait.ge [sflag:s7], $0x400  }
0xe1: {  	[sflag:s7] =	ssyncset.done $0x0  }
0xe2: {  	[sflag:s7] =	ssyncadd.s32 $0xFFFFFC00  }
0xe3: {  	_ =	swait.ge [sflag:s7], $0x400  }
0xe4: {  	[sflag:s7] =	ssyncset.done $0x0  }
0xe5: {  	[sflag:s7] =	ssyncadd.s32 $0xFFFFFC00  }
0xe6: {  	_ =	swait.ge [sflag:s7], $0x400  }
0xe7: {  	[sflag:s7] =	ssyncset.done $0x0  }
0xe8: {  	[sflag:s7] =	ssyncadd.s32 $0xFFFFFC00  }
0xe9: {  	_ =	swait.ge [sflag:s7], $0x400  }
0xea: {  	[sflag:s7] =	ssyncset.done $0x0  }
0xeb: {  	[sflag:s7] =	ssyncadd.s32 $0xFFFFFC00  }
0xec: {  	_ =	swait.ge [sflag:s7], $0x400  }
0xed: {  	[sflag:s7] =	ssyncset.done $0x0  }
0xee: {  	[sflag:s7] =	ssyncadd.s32 $0xFFFFFC00  }
0xef: {  	_ =	swait.ge [sflag:s7], $0x400  }
0xf0: {  	[sflag:s7] =	ssyncset.done $0x0  }
0xf1: {  	[sflag:s7] =	ssyncadd.s32 $0xFFFFFC00  }
0xf2: {  	_ =	swait.ge [sflag:s7], $0x400  }
0xf3: {  	[sflag:s7] =	ssyncset.done $0x0  }
0xf4: {  	[sflag:s7] =	ssyncadd.s32 $0xFFFFFC00  }
0xf5: {  	_ =	swait.ge [sflag:s7], $0x400  }
0xf6: {  	[sflag:s7] =	ssyncset.done $0x0  }
0xf7: {  	[sflag:s7] =	ssyncadd.s32 $0xFFFFFC00  }
0xf8: {  	_ =	swait.ge [sflag:s7], $0x400  }
0xf9: {  	[sflag:s7] =	ssyncset.done $0x0  }
0xfa: {  	[sflag:s7] =	ssyncadd.s32 $0xFFFFFC00  }
0xfb: {  	_ =	swait.ge [sflag:s7], $0x400  }
0xfc: {  	[sflag:s7] =	ssyncset.done $0x0  }
0xfd: {  	[sflag:s7] =	ssyncadd.s32 $0xFFFFFC00  }
0xfe: {  	_ =	swait.ge [sflag:s7], $0x400  }
0xff: {  	[sflag:s7] =	ssyncset.done $0x0  }
0x100: {  	[sflag:s7] =	ssyncadd.s32 $0xFFFFFC00  }
0x101: {  	_ =	swait.ge [sflag:s7], $0x400  }
0x102: {  	[sflag:s7] =	ssyncset.done $0x0  }
0x103: {  	[sflag:s7] =	ssyncadd.s32 $0xFFFFFC00  }
0x104: {  	_ =	swait.ge [sflag:s7], $0x400  }
0x105: {  	[sflag:s7] =	ssyncset.done $0x0  }
0x106: {  	[sflag:s7] =	ssyncadd.s32 $0xFFFFFC00  }
0x107: {  	_ =	swait.ge [sflag:s7], $0x400  }
0x108: {  	[sflag:s7] =	ssyncset.done $0x0  }
0x109: {  	[sflag:s7] =	ssyncadd.s32 $0xFFFFFC00  }
0x10a: {  	_ =	swait.ge [sflag:s7], $0x400  }
0x10b: {  	[sflag:s7] =	ssyncset.done $0x0  }
0x10c: {  	[sflag:s7] =	ssyncadd.s32 $0xFFFFFC00  }
0x10d: {  	_ =	swait.ge [sflag:s7], $0x400  }
0x10e: {  	[sflag:s7] =	ssyncset.done $0x0  }
0x10f: {  	[sflag:s7] =	ssyncadd.s32 $0xFFFFFC00  }
0x110: {  	_ =	swait.ge [sflag:s7], $0x400  }
0x111: {  	[sflag:s7] =	ssyncset.done $0x0  }
0x112: {  	[sflag:s7] =	ssyncadd.s32 $0xFFFFFC00  }
0x113: {  	_ =	swait.ge [sflag:s7], $0x400  }
0x114: {  	[sflag:s7] =	ssyncset.done $0x0  }
0x115: {  	[sflag:s7] =	ssyncadd.s32 $0xFFFFFC00  }
0x116: {  	_ =	swait.ge [sflag:s7], $0x400  }
0x117: {  	[sflag:s7] =	ssyncset.done $0x0  }
0x118: {  	[sflag:s7] =	ssyncadd.s32 $0xFFFFFC00  }
0x119: {  	_ =	swait.ge [sflag:s7], $0x400  }
0x11a: {  	[sflag:s7] =	ssyncset.done $0x0  }
0x11b: {  	[sflag:s7] =	ssyncadd.s32 $0xFFFFFC00  }
0x11c: {  	_ =	swait.ge [sflag:s7], $0x400  }
0x11d: {  	[sflag:s7] =	ssyncset.done $0x0  }
0x11e: {  	[sflag:s7] =	ssyncadd.s32 $0xFFFFFC00  }
0x11f: {  	_ =	swait.ge [sflag:s7], $0x400  }
0x120: {  	[sflag:s7] =	ssyncset.done $0x0  }
0x121: {  	[sflag:s7] =	ssyncadd.s32 $0xFFFFFC00  }
0x122: {  	v2 =	vld [tilespmem:$0x0]  }
0x123: {  	v3 =	vld [tilespmem:$0x10]  }
0x124: {  	v0 =	vlaneseq.u32  }
0x125: {  	s11 =	sshll.u32 s11, $0x7;
	v1 =	vmul.u32 $0x401, v0  }
0x126: {  	s9 =	ssub.s32 s9, s11  }
0x127: {  	v0 =	vadd.s32 s9, v1;
	v4 =	vshll.u32 v2, $0x7  }
0x128: {  	s9 =	sor.u32 $0x10, s9;
	v1 =	vor.u32 $0x4000, v1;
	v5 =	vshll.u32 v3, $0x7;
	v4 =	vand.u32 $0x380, v4  }
0x129: {  	v1 =	vadd.s32 s9, v1;
	v5 =	vand.u32 $0x380, v5;
	v4 =	vadd.s32 v4, v0  }
0x12a: {  	v5 =	vadd.s32 v5, v1;
	_ =	sdelay $0x3  }
0x12b: {  	v4 =	vld.idx.msk [tilespmem:v4+s6+$0x0], $0xffff  }
0x12c: {  	v5 =	vld.idx.msk [tilespmem:v5+s6+$0x0], $0xffff;
	_ =	sdelay $0x4  }
0x12d: {  	v4 =	vsub.f32 $0.0e+00, v4;
	v5 =	vsub.f32 $0.0e+00, v5  }
0x12e: {  	vm0 =	veq.s32 v2, $0x0;
	vm1 =	veq.s32 v3, $0x0  }
0x12f: {  	v2 =	vsel vm0, $0x0, v4;
	v3 =	vsel vm1, $0x0, v5  }
0x130: {  	s29 =	sld [smem:$0x7FD];
	v2 =	vadd.f32 v3, v2;
	_ =	sdelay $0x1  }
0x131: {  	s30 =	rddreg [dreg:$0x6];
	[tilespmem:$0x8080] =	vst v2  }
0x132: {  	[spmem:s30] =	stream.linear.scatter [tilespmem:s29], [sflag:$0x2], $0x10, $0x38;
	[tilespmem:$0x8210] =	vst v63  }
0x133: {  	_ =	swait.ge [sflag:s4], $0x10  }
0x134: {  	[sflag:s4] =	ssyncset.done $0x0  }
0x135: {  	p0 =	sne.s32 s8, $0x0;
	[sflag:s4] =	ssyncadd.s32 $0xFFFFFFF0  }
0x136: {  	s8 =	simm.s32 @!p0 $0x2;
	s9 =	simm.s32 @!p0 $0x8100;
	[bflag:$0x0] =	sbarrier.arrive $0xFFFF  }
0x137: {  	[tilespmem:s9], [sflag:$0x2] =	stream.linear.gather @!p0 [spmem:s2], $0x100, $0x38;
	[tilespmem:$0x8210] =	vst v63  }
0x138: {  	_ =	swait.ge @!p0 [sflag:s8], $0x100  }
0x139: {  	[sflag:s8] =	ssyncset.done @!p0 $0x0  }
0x13a: {  	[sflag:s8] =	ssyncadd.s32 @!p0 $0xFFFFFF00  }
0x13b: {  	v2 =	vld @!p0 [tilespmem:$0x8100]  }
0x13c: {  	v3 =	vld @!p0 [tilespmem:$0x8110];
	_ =	sdelay $0x1  }
0x13d: {  	v4 =	vld @!p0 [tilespmem:$0x8120];
	_ =	sdelay $0x1  }
0x13e: {  	v5 =	vld @!p0 [tilespmem:$0x8130]  }
0x13f: {  	s10 =	ssub.s32 $0x2, s10;
	v2 =	vadd.f32 @!p0 v3, v2  }
0x140: {  	s31 =	sshrl.u32 s10, $0x1;
	v3 =	vld @!p0 [tilespmem:$0x8140]  }
0x141: {  	s10 =	ssub.s32 s10, s31;
	v2 =	vadd.f32 @!p0 v4, v2  }
0x142: {  	s10 =	smax.u32 s10, $0x1;
	v4 =	vld @!p0 [tilespmem:$0x8150]  }
0x143: {  	s10 =	sadd.s32 $0xFFFFFFFF, s10;
	v2 =	vadd.f32 @!p0 v5, v2  }
0x144: {  	p1 =	sne.s32 s10, $0x0;
	v5 =	vld @!p0 [tilespmem:$0x8160]  }
.Ltmp0:
0x145: {  	v6 =	vadd.f32 @!p0 v3, v2;
	(pc) =	sbr.rel @!p1 .LBB2_2-.Ltmp0, $4  }
0x146: {  	v2 =	vld @!p0 [tilespmem:$0x81A0]  }
0x147: {  	v3 =	vld @!p0 [tilespmem:$0x8170];
	v6 =	vadd.f32 @!p0 v4, v6  }
0x148: {  	v4 =	vld @!p0 [tilespmem:$0x8180]  }
0x149: {  	v6 =	vadd.f32 @!p0 v5, v6;
	v5 =	vld @!p0 [tilespmem:$0x8190]  }
.LBB2_1:
0x14a: {  	_ =	sdelay $0x1  }
0x14b: {  	v3 =	vadd.f32 @!p0 v3, v6;
	_ =	sdelay $0x1  }
0x14c: {  	v3 =	vadd.f32 @!p0 v4, v3  }
0x14d: {  	v4 =	vld @!p0 [tilespmem:$0x81B0]  }
0x14e: {  	v3 =	vadd.f32 @!p0 v5, v3  }
0x14f: {  	v5 =	vld @!p0 [tilespmem:$0x81C0]  }
0x150: {  	v2 =	vadd.f32 @!p0 v2, v3  }
0x151: {  	v3 =	vld @!p0 [tilespmem:$0x81D0]  }
0x152: {  	v2 =	vadd.f32 @!p0 v4, v2  }
0x153: {  	v4 =	vld @!p0 [tilespmem:$0x81E0]  }
0x154: {  	v2 =	vadd.f32 @!p0 v5, v2  }
0x155: {  	v5 =	vld @!p0 [tilespmem:$0x81F0]  }
0x156: {  	v2 =	vadd.f32 @!p0 v3, v2;
	_ =	sdelay $0x1  }
0x157: {  	v2 =	vadd.f32 @!p0 v4, v2;
	_ =	sdelay $0x1  }
0x158: {  	v2 =	vadd.f32 @!p0 v5, v2;
	_ =	sdelay $0x1  }
0x159: {  	s11 =	rddreg [dreg:$0x7];
	s12 =	simm.s32 @!p0 $0x0;
	s13 =	simm.s32 @!p0 $0x8080;
	[tilespmem:$0x8080] =	vst @!p0 v2  }
0x15a: {  	[hbm4b:s11+s12] =	stream.linear.scatter @!p0 [tilespmem:s13], [sflag:$0x2], $0x80, $0x38;
	[tilespmem:$0x8210] =	vst v63  }
0x15b: {  	_ =	swait.ge @!p0 [sflag:s8], $0x80  }
0x15c: {  	[sflag:s8] =	ssyncset.done @!p0 $0x0  }
0x15d: {  	s29 =	rddreg [dreg:$0x5];
	[sflag:s8] =	ssyncadd.s32 @!p0 $0xFFFFFF80  }
0x15e: {  	[tilespmem:s3], [sflag:$0x2] =	stream.linear.gather [hbm4b:s29+s3], $0x20, $0x38;
	[tilespmem:$0x8210] =	vst v63  }
0x15f: {  	_ =	swait.ge [sflag:s4], $0x20  }
0x160: {  	[sflag:s4] =	ssyncset.done $0x0  }
0x161: {  	[sflag:s4] =	ssyncadd.s32 $0xFFFFFFE0  }
0x162: {  	v2 =	vld [tilespmem:$0x0];
	_ =	sdelay $0x4  }
0x163: {  	v2 =	vshll.u32 v2, $0xA  }
0x164: {  	(v2sf) =	vpush v2, $0x0  }
0x165: {  	(v2sf) =	vpush v2, $0x1  }
0x166: {  	(v2sf) =	vpush v2, $0x2;
	_ =	sdelay $0x1  }
0x167: {  	(v2sf) =	vpush v2, $0x3;
	_ =	sdelay $0x1  }
0x168: {  	(v2sf) =	vpush v2, $0x4  }
0x169: {  	(v2sf) =	vpush v2, $0x5;
	_ =	sdelay $0x5  }
0x16a: {  	s15 =	rddreg [dreg:$0x11]  }
0x16b: {  	s22 =	rddreg [dreg:$0xa];
	(v2sf) =	vpush v2, $0x6  }
0x16c: {  	s23 =	rddreg [dreg:$0x9];
	s24 =	spop (v2sf)  }
0x16d: {  	s25 =	rddreg [dreg:$0x8];
	s24 =	sand.u32 $0x7FFFE000, s24;
	s26 =	spop (v2sf)  }
0x16e: {  	s24 =	sadd.s32 s5, s24;
	s26 =	sand.u32 $0x7FFFE000, s26;
	s28 =	spop (v2sf)  }
0x16f: {  	s24 =	sshrl.u32 s24, $0x3;
	s26 =	sadd.s32 s5, s26;
	s28 =	sand.u32 $0x7FFFE000, s28  }
0x170: {  	(v2sf) =	vpush v2, $0x7;
	s0 =	spop (v2sf);
	s24 =	sadd.s32 s1, s24;
	s26 =	sshrl.u32 s26, $0x3  }
0x171: {  	(v2sf) =	vpush v2, $0x8;
	[tilespmem:s6], [sflag:$0x1] =	stream.linear.gather [hbm4b:s24+s3], $0x400, $0x38;
	[tilespmem:$0x8210] =	vst v63  }
0x172: {  	s28 =	sadd.s32 s5, s28;
	s29 =	spop (v2sf);
	s30 =	sadd.s32 s1, s26  }
0x173: {  	s31 =	sshrl.u32 s28, $0x3;
	s28 =	sand.u32 $0x7FFFE000, s0;
	s0 =	spop (v2sf)  }
0x174: {  	[tilespmem:s25], [sflag:$0x1] =	stream.linear.gather [hbm4b:s30+s3], $0x400, $0x38;
	[tilespmem:$0x8210] =	vst v63  }
0x175: {  	(v2sf) =	vpush v2, $0x9;
	s26 =	sadd.s32 s1, s31;
	s31 =	sand.u32 $0x7FFFE000, s29;
	s30 =	sadd.s32 s5, s28  }
0x176: {  	[tilespmem:s23], [sflag:$0x1] =	stream.linear.gather [hbm4b:s26+s3], $0x400, $0x38;
	[tilespmem:$0x8210] =	vst v63  }
0x177: {  	(v2sf) =	vpush v2, $0xA;
	s24 =	sadd.s32 s5, s31;
	s25 =	sand.u32 $0x7FFFE000, s0;
	s23 =	sshrl.u32 s30, $0x3  }
0x178: {  	s24 =	sshrl.u32 s24, $0x3;
	s25 =	sadd.s32 s5, s25;
	s23 =	sadd.s32 s1, s23  }
0x179: {  	[tilespmem:s22], [sflag:$0x1] =	stream.linear.gather [hbm4b:s23+s3], $0x400, $0x38;
	[tilespmem:$0x8210] =	vst v63  }
0x17a: {  	(v2sf) =	vpush v2, $0xB;
	s23 =	sadd.s32 s1, s24;
	s24 =	sshrl.u32 s25, $0x3;
	s25 =	spop (v2sf)  }
0x17b: {  	s21 =	rddreg [dreg:$0xb];
	s28 =	sand.u32 $0x7FFFE000, s25  }
0x17c: {  	[tilespmem:s21], [sflag:$0x1] =	stream.linear.gather [hbm4b:s23+s3], $0x400, $0x38;
	[tilespmem:$0x8210] =	vst v63  }
0x17d: {  	s20 =	rddreg [dreg:$0xc];
	(v2sf) =	vpush v2, $0xC;
	s26 =	sadd.s32 s1, s24;
	s30 =	sadd.s32 s5, s28  }
0x17e: {  	[tilespmem:s20], [sflag:$0x1] =	stream.linear.gather [hbm4b:s26+s3], $0x400, $0x38;
	[tilespmem:$0x8210] =	vst v63  }
0x17f: {  	s19 =	rddreg [dreg:$0xd];
	s20 =	sshrl.u32 s30, $0x3;
	s29 =	spop (v2sf)  }
0x180: {  	s20 =	sadd.s32 s1, s20;
	s31 =	sand.u32 $0x7FFFE000, s29;
	s0 =	spop (v2sf)  }
0x181: {  	[tilespmem:s19], [sflag:$0x1] =	stream.linear.gather [hbm4b:s20+s3], $0x400, $0x38;
	[tilespmem:$0x8210] =	vst v63  }
0x182: {  	s16 =	rddreg [dreg:$0x10];
	s21 =	sadd.s32 s5, s31;
	s22 =	sand.u32 $0x7FFFE000, s0  }
0x183: {  	s18 =	rddreg [dreg:$0xe];
	(v2sf) =	vpush v2, $0xD;
	s21 =	sshrl.u32 s21, $0x3;
	s22 =	sadd.s32 s5, s22  }
0x184: {  	s20 =	sadd.s32 s1, s21;
	s21 =	sshrl.u32 s22, $0x3;
	s22 =	spop (v2sf)  }
0x185: {  	[tilespmem:s18], [sflag:$0x1] =	stream.linear.gather [hbm4b:s20+s3], $0x400, $0x38;
	[tilespmem:$0x8210] =	vst v63  }
0x186: {  	s17 =	rddreg [dreg:$0xf];
	(v2sf) =	vpush v2, $0xE;
	s24 =	sand.u32 $0x7FFFE000, s22;
	s25 =	spop (v2sf)  }
0x187: {  	s23 =	sadd.s32 s1, s21;
	s26 =	sadd.s32 s5, s24;
	s28 =	sand.u32 $0x7FFFE000, s25  }
0x188: {  	(v2sf) =	vpush v2, $0xF;
	[tilespmem:s17], [sflag:$0x1] =	stream.linear.gather [hbm4b:s23+s3], $0x400, $0x38;
	[tilespmem:$0x8210] =	vst v63  }
0x189: {  	s29 =	spop (v2sf);
	s17 =	sshrl.u32 s26, $0x3;
	s18 =	sadd.s32 s5, s28  }
0x18a: {  	s19 =	sand.u32 $0x7FFFE000, s29;
	s17 =	sadd.s32 s1, s17;
	s18 =	sshrl.u32 s18, $0x3  }
0x18b: {  	[tilespmem:s16], [sflag:$0x1] =	stream.linear.gather [hbm4b:s17+s3], $0x400, $0x38;
	[tilespmem:$0x8210] =	vst v63  }
0x18c: {  	s19 =	sadd.s32 s5, s19;
	s30 =	sadd.s32 s1, s18;
	s0 =	spop (v2sf)  }
0x18d: {  	[tilespmem:s15], [sflag:$0x1] =	stream.linear.gather [hbm4b:s30+s3], $0x400, $0x38;
	[tilespmem:$0x8210] =	vst v63  }
0x18e: {  	s31 =	sshrl.u32 s19, $0x3;
	s18 =	sand.u32 $0x7FFFE000, s0  }
0x18f: {  	s14 =	rddreg [dreg:$0x12];
	s17 =	sadd.s32 s1, s31;
	s20 =	sadd.s32 s5, s18  }
0x190: {  	[tilespmem:s14], [sflag:$0x1] =	stream.linear.gather [hbm4b:s17+s3], $0x400, $0x38;
	[tilespmem:$0x8210] =	vst v63  }
0x191: {  	s14 =	sshrl.u32 s20, $0x3  }
0x192: {  	s13 =	rddreg [dreg:$0x13];
	s14 =	sadd.s32 s1, s14;
	s19 =	spop (v2sf)  }
0x193: {  	[tilespmem:s13], [sflag:$0x1] =	stream.linear.gather [hbm4b:s14+s3], $0x400, $0x38;
	[tilespmem:$0x8210] =	vst v63  }
0x194: {  	s21 =	sand.u32 $0x7FFFE000, s19  }
0x195: {  	s22 =	spop (v2sf);
	s15 =	sadd.s32 s5, s21  }
0x196: {  	s12 =	rddreg [dreg:$0x14];
	s16 =	sand.u32 $0x7FFFE000, s22;
	s15 =	sshrl.u32 s15, $0x3  }
0x197: {  	s16 =	sadd.s32 s5, s16;
	s23 =	sadd.s32 s1, s15;
	s25 =	spop (v2sf)  }
0x198: {  	[tilespmem:s12], [sflag:$0x1] =	stream.linear.gather [hbm4b:s23+s3], $0x400, $0x38;
	[tilespmem:$0x8210] =	vst v63  }
0x199: {  	s24 =	sshrl.u32 s16, $0x3;
	s28 =	sand.u32 $0x7FFFE000, s25  }
0x19a: {  	s11 =	rddreg [dreg:$0x15];
	s26 =	sadd.s32 s1, s24;
	s29 =	sadd.s32 s5, s28  }
0x19b: {  	[tilespmem:s11], [sflag:$0x1] =	stream.linear.gather [hbm4b:s26+s3], $0x400, $0x38;
	[tilespmem:$0x8210] =	vst v63  }
0x19c: {  	s11 =	sshrl.u32 s29, $0x3  }
0x19d: {  	s30 =	rddreg [dreg:$0x16];
	s11 =	sadd.s32 s1, s11  }
0x19e: {  	[tilespmem:s30], [sflag:$0x1] =	stream.linear.gather [hbm4b:s11+s3], $0x400, $0x38;
	[tilespmem:$0x8210] =	vst v63  }
0x19f: {  	v2 =	vld [tilespmem:$0x10];
	_ =	sdelay $0x4  }
0x1a0: {  	v2 =	vshll.u32 v2, $0xA  }
0x1a1: {  	(v2sf) =	vpush v2, $0x3  }
0x1a2: {  	(v2sf) =	vpush v2, $0x0  }
0x1a3: {  	(v2sf) =	vpush v2, $0x4  }
0x1a4: {  	(v2sf) =	vpush v2, $0x2  }
0x1a5: {  	(v2sf) =	vpush v2, $0x1  }
0x1a6: {  	s18 =	rddreg [dreg:$0x1e]  }
0x1a7: {  	s17 =	rddreg [dreg:$0x1f]  }
0x1a8: {  	s20 =	rddreg [dreg:$0x1c]  }
0x1a9: {  	s14 =	sld [smem:$0x7F8]  }
0x1aa: {  	s19 =	rddreg [dreg:$0x1d];
	(v2sf) =	vpush v2, $0x5  }
0x1ab: {  	s21 =	rddreg [dreg:$0x1b]  }
0x1ac: {  	s22 =	rddreg [dreg:$0x1a];
	(v2sf) =	vpush v2, $0x6  }
0x1ad: {  	s15 =	sld [smem:$0x7F7]  }
0x1ae: {  	s16 =	sld [smem:$0x7F6];
	(v2sf) =	vpush v2, $0x7  }
0x1af: {  	s23 =	rddreg [dreg:$0x19]  }
0x1b0: {  	s24 =	rddreg [dreg:$0x18];
	s31 =	spop (v2sf)  }
0x1b1: {  	s26 =	rddreg [dreg:$0x17];
	s0 =	spop (v2sf);
	s25 =	sand.u32 $0x7FFFE000, s31  }
0x1b2: {  	s28 =	sand.u32 $0x7FFFE000, s0;
	s29 =	spop (v2sf);
	s25 =	sadd.s32 s5, s25  }
0x1b3: {  	s29 =	sand.u32 $0x7FFFE000, s29;
	s30 =	spop (v2sf);
	s25 =	sshrl.u32 s25, $0x3  }
0x1b4: {  	(v2sf) =	vpush v2, $0x8;
	s28 =	sadd.s32 s5, s28;
	s30 =	sand.u32 $0x7FFFE000, s30;
	s31 =	spop (v2sf)  }
0x1b5: {  	s29 =	sadd.s32 s5, s29;
	s28 =	sshrl.u32 s28, $0x3;
	s31 =	sand.u32 $0x7FFFE000, s31  }
0x1b6: {  	(v2sf) =	vpush v2, $0x9;
	s25 =	sadd.s32 s1, s25;
	s28 =	sadd.s32 s1, s28;
	s31 =	sadd.s32 s5, s31  }
0x1b7: {  	[tilespmem:s26], [sflag:$0x1] =	stream.linear.gather [hbm4b:s28+s3], $0x400, $0x38;
	[tilespmem:$0x8210] =	vst v63  }
0x1b8: {  	s30 =	sadd.s32 s5, s30;
	s29 =	sshrl.u32 s29, $0x3;
	s31 =	sshrl.u32 s31, $0x3  }
0x1b9: {  	s0 =	spop (v2sf);
	(v2sf) =	vpush v2, $0xA;
	s30 =	sshrl.u32 s30, $0x3;
	s28 =	sadd.s32 s1, s31  }
0x1ba: {  	[tilespmem:s24], [sflag:$0x1] =	stream.linear.gather [hbm4b:s28+s3], $0x400, $0x38;
	[tilespmem:$0x8210] =	vst v63  }
0x1bb: {  	s0 =	sand.u32 $0x7FFFE000, s0;
	s30 =	sadd.s32 s1, s30;
	s31 =	spop (v2sf)  }
0x1bc: {  	(v2sf) =	vpush v2, $0xB;
	[tilespmem:s23], [sflag:$0x1] =	stream.linear.gather [hbm4b:s30+s3], $0x400, $0x38;
	[tilespmem:$0x8210] =	vst v63  }
0x1bd: {  	s0 =	sadd.s32 s5, s0;
	s26 =	sand.u32 $0x7FFFE000, s31;
	s28 =	spop (v2sf);
	(v2sf) =	vpush v2, $0xC  }
0x1be: {  	[tilespmem:s22], [sflag:$0x1] =	stream.linear.gather [hbm4b:s25+s3], $0x400, $0x38;
	[tilespmem:$0x8210] =	vst v63  }
0x1bf: {  	s0 =	sshrl.u32 s0, $0x3;
	s24 =	sadd.s32 s1, s29;
	s29 =	sadd.s32 s5, s26  }
0x1c0: {  	[tilespmem:s21], [sflag:$0x1] =	stream.linear.gather [hbm4b:s24+s3], $0x400, $0x38;
	[tilespmem:$0x8210] =	vst v63  }
0x1c1: {  	s0 =	sadd.s32 s1, s0;
	s30 =	sand.u32 $0x7FFFE000, s28;
	s26 =	sshrl.u32 s29, $0x3  }
0x1c2: {  	[tilespmem:s20], [sflag:$0x1] =	stream.linear.gather [hbm4b:s0+s3], $0x400, $0x38;
	[tilespmem:$0x8210] =	vst v63  }
0x1c3: {  	s28 =	sadd.s32 s5, s30;
	s29 =	sadd.s32 s1, s26;
	s31 =	spop (v2sf)  }
0x1c4: {  	(v2sf) =	vpush v2, $0xD;
	[tilespmem:s19], [sflag:$0x1] =	stream.linear.gather [hbm4b:s29+s3], $0x400, $0x38;
	[tilespmem:$0x8210] =	vst v63  }
0x1c5: {  	s30 =	sshrl.u32 s28, $0x3;
	s31 =	sand.u32 $0x7FFFE000, s31;
	s21 =	spop (v2sf)  }
0x1c6: {  	s20 =	sadd.s32 s5, s31;
	s19 =	sadd.s32 s1, s30;
	s23 =	sand.u32 $0x7FFFE000, s21  }
0x1c7: {  	(v2sf) =	vpush v2, $0xE;
	[tilespmem:s18], [sflag:$0x1] =	stream.linear.gather [hbm4b:s19+s3], $0x400, $0x38;
	[tilespmem:$0x8210] =	vst v63  }
0x1c8: {  	(v2sf) =	vpush v2, $0xF;
	s22 =	sshrl.u32 s20, $0x3;
	s24 =	spop (v2sf);
	s18 =	sadd.s32 s5, s23  }
0x1c9: {  	s0 =	sadd.s32 s1, s22;
	s19 =	sand.u32 $0x7FFFE000, s24;
	s25 =	sshrl.u32 s18, $0x3  }
0x1ca: {  	[tilespmem:s17], [sflag:$0x1] =	stream.linear.gather [hbm4b:s0+s3], $0x400, $0x38;
	[tilespmem:$0x8210] =	vst v63  }
0x1cb: {  	s26 =	sadd.s32 s5, s19;
	s28 =	spop (v2sf);
	s0 =	sadd.s32 s1, s25  }
0x1cc: {  	s17 =	sshrl.u32 s26, $0x3;
	s18 =	sand.u32 $0x7FFFE000, s28;
	s31 =	spop (v2sf)  }
0x1cd: {  	[tilespmem:s16], [sflag:$0x1] =	stream.linear.gather [hbm4b:s0+s3], $0x400, $0x38;
	[tilespmem:$0x8210] =	vst v63  }
0x1ce: {  	s29 =	sadd.s32 s1, s17;
	s30 =	sadd.s32 s5, s18;
	s17 =	sand.u32 $0x7FFFE000, s31  }
0x1cf: {  	[tilespmem:s15], [sflag:$0x1] =	stream.linear.gather [hbm4b:s29+s3], $0x400, $0x38;
	[tilespmem:$0x8210] =	vst v63  }
0x1d0: {  	s16 =	sshrl.u32 s30, $0x3;
	s15 =	sadd.s32 s5, s17  }
0x1d1: {  	s13 =	sld [smem:$0x7F9];
	s0 =	sadd.s32 s1, s16;
	s19 =	sshrl.u32 s15, $0x3  }
0x1d2: {  	[tilespmem:s14], [sflag:$0x1] =	stream.linear.gather [hbm4b:s0+s3], $0x400, $0x38;
	[tilespmem:$0x8210] =	vst v63  }
0x1d3: {  	s0 =	sadd.s32 s1, s19;
	s18 =	spop (v2sf)  }
0x1d4: {  	[tilespmem:s13], [sflag:$0x1] =	stream.linear.gather [hbm4b:s0+s3], $0x400, $0x38;
	[tilespmem:$0x8210] =	vst v63  }
0x1d5: {  	s12 =	sld [smem:$0x7FA];
	s16 =	sand.u32 $0x7FFFE000, s18  }
0x1d6: {  	s11 =	sld [smem:$0x7FB];
	s21 =	spop (v2sf);
	s20 =	sadd.s32 s5, s16  }
0x1d7: {  	s15 =	sand.u32 $0x7FFFE000, s21;
	s14 =	sshrl.u32 s20, $0x3;
	s24 =	spop (v2sf)  }
0x1d8: {  	s23 =	sadd.s32 s5, s15;
	s22 =	sadd.s32 s1, s14;
	s26 =	sand.u32 $0x7FFFE000, s24  }
0x1d9: {  	[tilespmem:s12], [sflag:$0x1] =	stream.linear.gather [hbm4b:s22+s3], $0x400, $0x38;
	[tilespmem:$0x8210] =	vst v63  }
0x1da: {  	s25 =	sshrl.u32 s23, $0x3;
	s12 =	sadd.s32 s5, s26  }
0x1db: {  	s28 =	sld [smem:$0x7FC];
	s0 =	sadd.s32 s1, s25;
	s29 =	sshrl.u32 s12, $0x3  }
0x1dc: {  	[tilespmem:s11], [sflag:$0x1] =	stream.linear.gather [hbm4b:s0+s3], $0x400, $0x38;
	[tilespmem:$0x8210] =	vst v63  }
0x1dd: {  	s0 =	sadd.s32 s1, s29  }
0x1de: {  	[tilespmem:s28], [sflag:$0x1] =	stream.linear.gather [hbm4b:s0+s3], $0x400, $0x38;
	[tilespmem:$0x8210] =	vst v63  }
0x1df: {  	_ =	swait.ge [sflag:s7], $0x400  }
0x1e0: {  	[sflag:s7] =	ssyncset.done $0x0  }
0x1e1: {  	[sflag:s7] =	ssyncadd.s32 $0xFFFFFC00  }
0x1e2: {  	_ =	swait.ge [sflag:s7], $0x400  }
0x1e3: {  	[sflag:s7] =	ssyncset.done $0x0  }
0x1e4: {  	[sflag:s7] =	ssyncadd.s32 $0xFFFFFC00  }
0x1e5: {  	_ =	swait.ge [sflag:s7], $0x400  }
0x1e6: {  	[sflag:s7] =	ssyncset.done $0x0  }
0x1e7: {  	[sflag:s7] =	ssyncadd.s32 $0xFFFFFC00  }
0x1e8: {  	_ =	swait.ge [sflag:s7], $0x400  }
0x1e9: {  	[sflag:s7] =	ssyncset.done $0x0  }
0x1ea: {  	[sflag:s7] =	ssyncadd.s32 $0xFFFFFC00  }
0x1eb: {  	_ =	swait.ge [sflag:s7], $0x400  }
0x1ec: {  	[sflag:s7] =	ssyncset.done $0x0  }
0x1ed: {  	[sflag:s7] =	ssyncadd.s32 $0xFFFFFC00  }
0x1ee: {  	_ =	swait.ge [sflag:s7], $0x400  }
0x1ef: {  	[sflag:s7] =	ssyncset.done $0x0  }
0x1f0: {  	[sflag:s7] =	ssyncadd.s32 $0xFFFFFC00  }
0x1f1: {  	_ =	swait.ge [sflag:s7], $0x400  }
0x1f2: {  	[sflag:s7] =	ssyncset.done $0x0  }
0x1f3: {  	[sflag:s7] =	ssyncadd.s32 $0xFFFFFC00  }
0x1f4: {  	_ =	swait.ge [sflag:s7], $0x400  }
0x1f5: {  	[sflag:s7] =	ssyncset.done $0x0  }
0x1f6: {  	[sflag:s7] =	ssyncadd.s32 $0xFFFFFC00  }
0x1f7: {  	_ =	swait.ge [sflag:s7], $0x400  }
0x1f8: {  	[sflag:s7] =	ssyncset.done $0x0  }
0x1f9: {  	[sflag:s7] =	ssyncadd.s32 $0xFFFFFC00  }
0x1fa: {  	_ =	swait.ge [sflag:s7], $0x400  }
0x1fb: {  	[sflag:s7] =	ssyncset.done $0x0  }
0x1fc: {  	[sflag:s7] =	ssyncadd.s32 $0xFFFFFC00  }
0x1fd: {  	_ =	swait.ge [sflag:s7], $0x400  }
0x1fe: {  	[sflag:s7] =	ssyncset.done $0x0  }
0x1ff: {  	[sflag:s7] =	ssyncadd.s32 $0xFFFFFC00  }
0x200: {  	_ =	swait.ge [sflag:s7], $0x400  }
0x201: {  	[sflag:s7] =	ssyncset.done $0x0  }
0x202: {  	[sflag:s7] =	ssyncadd.s32 $0xFFFFFC00  }
0x203: {  	_ =	swait.ge [sflag:s7], $0x400  }
0x204: {  	[sflag:s7] =	ssyncset.done $0x0  }
0x205: {  	[sflag:s7] =	ssyncadd.s32 $0xFFFFFC00  }
0x206: {  	_ =	swait.ge [sflag:s7], $0x400  }
0x207: {  	[sflag:s7] =	ssyncset.done $0x0  }
0x208: {  	[sflag:s7] =	ssyncadd.s32 $0xFFFFFC00  }
0x209: {  	_ =	swait.ge [sflag:s7], $0x400  }
0x20a: {  	[sflag:s7] =	ssyncset.done $0x0  }
0x20b: {  	[sflag:s7] =	ssyncadd.s32 $0xFFFFFC00  }
0x20c: {  	_ =	swait.ge [sflag:s7], $0x400  }
0x20d: {  	[sflag:s7] =	ssyncset.done $0x0  }
0x20e: {  	[sflag:s7] =	ssyncadd.s32 $0xFFFFFC00  }
0x20f: {  	_ =	swait.ge [sflag:s7], $0x400  }
0x210: {  	[sflag:s7] =	ssyncset.done $0x0  }
0x211: {  	[sflag:s7] =	ssyncadd.s32 $0xFFFFFC00  }
0x212: {  	_ =	swait.ge [sflag:s7], $0x400  }
0x213: {  	[sflag:s7] =	ssyncset.done $0x0  }
0x214: {  	[sflag:s7] =	ssyncadd.s32 $0xFFFFFC00  }
0x215: {  	_ =	swait.ge [sflag:s7], $0x400  }
0x216: {  	[sflag:s7] =	ssyncset.done $0x0  }
0x217: {  	[sflag:s7] =	ssyncadd.s32 $0xFFFFFC00  }
0x218: {  	_ =	swait.ge [sflag:s7], $0x400  }
0x219: {  	[sflag:s7] =	ssyncset.done $0x0  }
0x21a: {  	[sflag:s7] =	ssyncadd.s32 $0xFFFFFC00  }
0x21b: {  	_ =	swait.ge [sflag:s7], $0x400  }
0x21c: {  	[sflag:s7] =	ssyncset.done $0x0  }
0x21d: {  	[sflag:s7] =	ssyncadd.s32 $0xFFFFFC00  }
0x21e: {  	_ =	swait.ge [sflag:s7], $0x400  }
0x21f: {  	[sflag:s7] =	ssyncset.done $0x0  }
0x220: {  	[sflag:s7] =	ssyncadd.s32 $0xFFFFFC00  }
0x221: {  	_ =	swait.ge [sflag:s7], $0x400  }
0x222: {  	[sflag:s7] =	ssyncset.done $0x0  }
0x223: {  	[sflag:s7] =	ssyncadd.s32 $0xFFFFFC00  }
0x224: {  	_ =	swait.ge [sflag:s7], $0x400  }
0x225: {  	[sflag:s7] =	ssyncset.done $0x0  }
0x226: {  	[sflag:s7] =	ssyncadd.s32 $0xFFFFFC00  }
0x227: {  	_ =	swait.ge [sflag:s7], $0x400  }
0x228: {  	[sflag:s7] =	ssyncset.done $0x0  }
0x229: {  	[sflag:s7] =	ssyncadd.s32 $0xFFFFFC00  }
0x22a: {  	_ =	swait.ge [sflag:s7], $0x400  }
0x22b: {  	[sflag:s7] =	ssyncset.done $0x0  }
0x22c: {  	[sflag:s7] =	ssyncadd.s32 $0xFFFFFC00  }
0x22d: {  	_ =	swait.ge [sflag:s7], $0x400  }
0x22e: {  	[sflag:s7] =	ssyncset.done $0x0  }
0x22f: {  	[sflag:s7] =	ssyncadd.s32 $0xFFFFFC00  }
0x230: {  	_ =	swait.ge [sflag:s7], $0x400  }
0x231: {  	[sflag:s7] =	ssyncset.done $0x0  }
0x232: {  	[sflag:s7] =	ssyncadd.s32 $0xFFFFFC00  }
0x233: {  	_ =	swait.ge [sflag:s7], $0x400  }
0x234: {  	[sflag:s7] =	ssyncset.done $0x0  }
0x235: {  	[sflag:s7] =	ssyncadd.s32 $0xFFFFFC00  }
0x236: {  	_ =	swait.ge [sflag:s7], $0x400  }
0x237: {  	[sflag:s7] =	ssyncset.done $0x0  }
0x238: {  	[sflag:s7] =	ssyncadd.s32 $0xFFFFFC00  }
0x239: {  	_ =	swait.ge [sflag:s7], $0x400  }
0x23a: {  	[sflag:s7] =	ssyncset.done $0x0  }
0x23b: {  	[sflag:s7] =	ssyncadd.s32 $0xFFFFFC00  }
0x23c: {  	_ =	swait.ge [sflag:s7], $0x400  }
0x23d: {  	[sflag:s7] =	ssyncset.done $0x0  }
0x23e: {  	[sflag:s7] =	ssyncadd.s32 $0xFFFFFC00  }
0x23f: {  	v2 =	vld [tilespmem:$0x0]  }
0x240: {  	v3 =	vld [tilespmem:$0x10];
	_ =	sdelay $0x3  }
0x241: {  	v4 =	vshll.u32 v2, $0x7  }
0x242: {  	v5 =	vshll.u32 v3, $0x7;
	v4 =	vand.u32 $0x380, v4  }
0x243: {  	v5 =	vand.u32 $0x380, v5;
	v4 =	vadd.s32 v4, v0  }
0x244: {  	v5 =	vadd.s32 v5, v1;
	_ =	sdelay $0x3  }
0x245: {  	v4 =	vld.idx.msk [tilespmem:v4+s6+$0x0], $0xffff  }
0x246: {  	v5 =	vld.idx.msk [tilespmem:v5+s6+$0x0], $0xffff;
	_ =	sdelay $0x4  }
0x247: {  	v4 =	vsub.f32 $0.0e+00, v4;
	v5 =	vsub.f32 $0.0e+00, v5  }
0x248: {  	vm0 =	veq.s32 v2, $0x0;
	vm1 =	veq.s32 v3, $0x0  }
0x249: {  	v2 =	vsel vm0, $0x0, v4;
	v3 =	vsel vm1, $0x0, v5  }
0x24a: {  	s30 =	sld [smem:$0x7FD];
	v2 =	vadd.f32 v3, v2;
	_ =	sdelay $0x1  }
0x24b: {  	s31 =	rddreg [dreg:$0x6];
	[tilespmem:$0x8080] =	vst v2  }
0x24c: {  	[spmem:s31] =	stream.linear.scatter [tilespmem:s30], [sflag:$0x2], $0x10, $0x38;
	[tilespmem:$0x8210] =	vst v63  }
0x24d: {  	_ =	swait.ge [sflag:s4], $0x10  }
0x24e: {  	[sflag:s4] =	ssyncset.done $0x0  }
0x24f: {  	[sflag:s4] =	ssyncadd.s32 $0xFFFFFFF0  }
0x250: {  	[bflag:$0x0] =	sbarrier.arrive $0xFFFF  }
0x251: {  	[tilespmem:s9], [sflag:$0x2] =	stream.linear.gather @!p0 [spmem:s2], $0x100, $0x38;
	[tilespmem:$0x8210] =	vst v63  }
0x252: {  	_ =	swait.ge @!p0 [sflag:s8], $0x100  }
0x253: {  	[sflag:s8] =	ssyncset.done @!p0 $0x0  }
0x254: {  	[sflag:s8] =	ssyncadd.s32 @!p0 $0xFFFFFF00  }
0x255: {  	v3 =	vld @!p0 [tilespmem:$0x8100]  }
0x256: {  	v4 =	vld @!p0 [tilespmem:$0x8110];
	_ =	sdelay $0x1  }
0x257: {  	v5 =	vld @!p0 [tilespmem:$0x8120];
	_ =	sdelay $0x1  }
0x258: {  	v6 =	vld @!p0 [tilespmem:$0x8130]  }
0x259: {  	v3 =	vadd.f32 @!p0 v4, v3  }
0x25a: {  	v4 =	vld @!p0 [tilespmem:$0x8140]  }
0x25b: {  	v3 =	vadd.f32 @!p0 v5, v3  }
0x25c: {  	v5 =	vld @!p0 [tilespmem:$0x8150]  }
0x25d: {  	s10 =	sadd.s32 $0xFFFFFFFF, s10;
	v3 =	vadd.f32 @!p0 v6, v3  }
0x25e: {  	p1 =	sne.s32 s10, $0x0;
	v6 =	vld @!p0 [tilespmem:$0x8160]  }
.Ltmp1:
0x25f: {  	v4 =	vadd.f32 @!p0 v4, v3;
	(pc) =	sbr.rel @p1 .LBB2_1-.Ltmp1, $4  }
0x260: {  	v2 =	vld @!p0 [tilespmem:$0x81A0]  }
0x261: {  	v3 =	vld @!p0 [tilespmem:$0x8170];
	v5 =	vadd.f32 @!p0 v5, v4  }
0x262: {  	v4 =	vld @!p0 [tilespmem:$0x8180]  }
0x263: {  	v6 =	vadd.f32 @!p0 v6, v5;
	v5 =	vld @!p0 [tilespmem:$0x8190]  }
.LBB2_2:
0x264: {  	_ =	sdelay $0x1  }
0x265: {  	v0 =	vadd.f32 @!p0 v3, v6;
	_ =	sdelay $0x1  }
0x266: {  	v0 =	vadd.f32 @!p0 v4, v0  }
0x267: {  	v1 =	vld @!p0 [tilespmem:$0x81B0]  }
0x268: {  	v0 =	vadd.f32 @!p0 v5, v0  }
0x269: {  	v3 =	vld @!p0 [tilespmem:$0x81C0]  }
0x26a: {  	v0 =	vadd.f32 @!p0 v2, v0  }
0x26b: {  	v2 =	vld @!p0 [tilespmem:$0x81D0]  }
0x26c: {  	v0 =	vadd.f32 @!p0 v1, v0  }
0x26d: {  	v1 =	vld @!p0 [tilespmem:$0x81E0]  }
0x26e: {  	v0 =	vadd.f32 @!p0 v3, v0  }
0x26f: {  	v3 =	vld @!p0 [tilespmem:$0x81F0]  }
0x270: {  	v0 =	vadd.f32 @!p0 v2, v0;
	_ =	sdelay $0x1  }
0x271: {  	v0 =	vadd.f32 @!p0 v1, v0;
	_ =	sdelay $0x1  }
0x272: {  	v0 =	vadd.f32 @!p0 v3, v0;
	_ =	sdelay $0x1  }
0x273: {  	s0 =	rddreg [dreg:$0x7];
	s1 =	simm.s32 @!p0 $0x0;
	s2 =	simm.s32 @!p0 $0x8080;
	[tilespmem:$0x8080] =	vst @!p0 v0  }
0x274: {  	[hbm4b:s0+s1] =	stream.linear.scatter @!p0 [tilespmem:s2], [sflag:$0x2], $0x80, $0x38;
	[tilespmem:$0x8210] =	vst v63  }
0x275: {  	_ =	swait.ge @!p0 [sflag:s8], $0x80  }
0x276: {  	[sflag:s8] =	ssyncset.done @!p0 $0x0  }
0x277: {  	[sflag:s8] =	ssyncadd.s32 @!p0 $0xFFFFFF80  }
0x278: {  	_ =	sfence.sel $0x180000  }
0x279: {  	[bflag:$0x0] =	sbarrier.arrive $0xFFFF  }
0x27a: {  	_ =	strace $0x90000047  }
0x27b: {  	[bflag:$0x2] =	sbarrier.arrive $0xFFFF  }
0x27c: {  	s0 =	rddreg [dreg:$0x4]  }
0x27d: {  	s0 =	sadd.s32 @!p0 $0x100000, s0  }
0x27e: {  	[sflag:s0] =	ssyncadd.tile.s32 @!p0 $0x1;
	_ =	shalt  }
.Lfunc_end2:
_tile_overlayer_lowered:
.L_overlay_start_2:
0x27f: {  	(tag) =	ssettag $0x2  }
0x280: {  	s0 =	rddreg [dreg:$0x0];
	s2 =	stileid.u32  }
0x281: {  	s1 =	rddreg [dreg:$0x1];
	p0 =	sne.s32 s2, $0x0  }
0x282: {  	s3 =	rddreg [dreg:$0x2];
	[bflag:$0x3] =	sbarrier.arrive $0xFFFF;
	s2 =	simm.s32 @!p0 $0x1C02  }
0x283: {  	[timem:s3], [sflag:s2] =	dma.local @!p0 [hbm:s0], s1  }
0x284: {  	s0 =	simm.s32 @!p0 $0x2  }
0x285: {  	_ =	swait.ge @!p0 [sflag:s0], s1  }
0x286: {  	s1 =	ssub.s32 @!p0 $0x0, s1;
	[sflag:s0] =	ssyncset.done @!p0 $0x0  }
0x287: {  	[sflag:s0] =	ssyncadd.s32 @!p0 s1  }
0x288: {  	[bflag:$0x3] =	sbarrier.arrive $0xFFFF  }
0x289: {  	_ =	shalt  }

</sc_bundles>
